<compile_context>
chip_gen: v7x
topology: tpu7x:2x2x1
jax: 0.10.2.dev20260603
libtpu: 0.0.44.dev20260713+nightly
codegen_flags: <defaults>
</compile_context>

<pallas_src>
import functools

import jax
import jax.numpy as jnp
from jax import lax
from jax.experimental import pallas as pl
from jax.experimental.pallas import tpu as pltpu
from jax.experimental.pallas import tpu_sc as plsc

FM_W, FM_H = 50.0, 50.0
TM_W, TM_H = 800.0, 800.0
POS_TH = 0.7
NEG_TH = 0.3
MIN_POS_TH = 0.5 * NEG_TH
RATIO = 0.5

PCAP = 10240
LN = 16
IB = 128
JB = 2048
CHUNK = 8000


def _iou_code_body(x1, y1, x2, y2, g1, g2, g3, g4, iou_ref, code_ref):
    ax1, ay1, ax2, ay2 = x1[0], y1[0], x2[0], y2[0]
    sx = FM_W / TM_W
    sy = FM_H / TM_H
    bx1 = g1[0] * sx
    by1 = g2[0] * sy
    bx2 = g3[0] * sx
    by2 = g4[0] * sy
    area_a = (ax2 - ax1) * (ay2 - ay1)
    area_b = (bx2 - bx1) * (by2 - by1)
    w = jnp.maximum(jnp.minimum(ax2, bx2) - jnp.maximum(ax1, bx1), 0.0)
    h = jnp.maximum(jnp.minimum(ay2, by2) - jnp.maximum(ay1, by1), 0.0)
    inter = w * h
    iou = inter / (area_a + area_b - inter)
    valid = (ax1 >= 0) & (ay1 >= 0) & (ax2 <= FM_W) & (ay2 <= FM_H)
    rowmax = jnp.max(iou, axis=0, keepdims=True)
    pos = (((iou == rowmax) & (iou > MIN_POS_TH)) | (iou >= POS_TH)) & valid
    neg = (iou < NEG_TH) & (~pos) & valid
    code = jnp.where(pos, 1, jnp.where(neg, 2, 0)).astype(jnp.int32)
    iou_ref[0] = iou
    code_ref[0] = code


def _run_iou_code(B, A, G, comps, gcols):
    return pl.pallas_call(
        _iou_code_body,
        grid=(B,),
        in_specs=[pl.BlockSpec((1, 1, A), lambda b: (b, 0, 0))] * 4
        + [pl.BlockSpec((1, G, 1), lambda b: (b, 0, 0))] * 4,
        out_specs=[pl.BlockSpec((1, G, A), lambda b: (b, 0, 0))] * 2,
        out_shape=[
            jax.ShapeDtypeStruct((B, G, A), jnp.float32),
            jax.ShapeDtypeStruct((B, G, A), jnp.int32),
        ],
    )(*comps, *gcols)


def _make_compact(B, N, negcap):
    nch = N // CHUNK
    info = plsc.get_sparse_core_info()
    nc = info.num_cores
    mesh = plsc.VectorSubcoreMesh(core_axis_name="c", subcore_axis_name="s")

    @functools.partial(
        pl.kernel,
        mesh=mesh,
        out_type=[
            jax.ShapeDtypeStruct((B * PCAP,), jnp.float32),
            jax.ShapeDtypeStruct((B * PCAP,), jnp.int32),
            jax.ShapeDtypeStruct((B * negcap,), jnp.int32),
            jax.ShapeDtypeStruct((B * LN,), jnp.int32),
        ],
        scratch_types=[
            pltpu.VMEM((CHUNK,), jnp.float32),
            pltpu.VMEM((CHUNK,), jnp.int32),
            pltpu.VMEM((PCAP + LN,), jnp.float32),
            pltpu.VMEM((PCAP + LN,), jnp.int32),
            pltpu.VMEM((negcap + LN,), jnp.int32),
            pltpu.VMEM((LN,), jnp.int32),
        ],
        compiler_params=pltpu.CompilerParams(needs_layout_passes=False),
    )
    def k2(iou_hbm, code_hbm, piou_hbm, pidx_hbm, neg_hbm, cnt_hbm,
           iou_c, code_c, piou_v, pidx_v, neg_v, cnt_v):
        wid = lax.axis_index("s") * nc + lax.axis_index("c")

        @pl.when(wid < B)
        def _():
            b = wid
            iota = lax.iota(jnp.int32, LN)

            def initbody(k, _):
                piou_v[pl.ds(k * LN, LN)] = jnp.full((LN,), -1.0, jnp.float32)
                pidx_v[pl.ds(k * LN, LN)] = jnp.zeros((LN,), jnp.int32)
                return 0

            lax.fori_loop(0, (PCAP + LN) // LN, initbody, 0)

            def chunk(c, carry):
                src_off = pl.multiple_of(b * N + c * CHUNK, 8)
                pltpu.sync_copy(iou_hbm.at[pl.ds(src_off, CHUNK)], iou_c)
                pltpu.sync_copy(code_hbm.at[pl.ds(src_off, CHUNK)], code_c)

                def pos_part(cp, off, cv, idxv):
                    iv = iou_c[pl.ds(off, LN)]
                    mpos = cv == 1
                    ppref = plsc.cumsum(mpos.astype(jnp.int32))
                    pdest = cp + ppref - 1
                    plsc.store_scatter(piou_v, [pdest], iv, mask=mpos)
                    plsc.store_scatter(pidx_v, [pdest], idxv, mask=mpos)
                    return jnp.minimum(cp + jnp.max(ppref), PCAP)

                def step_full(k, cc):
                    cp, cn = cc
                    off = k * LN
                    cv = code_c[pl.ds(off, LN)]
                    idxv = c * CHUNK + off + iota
                    cp = pos_part(cp, off, cv, idxv)
                    mneg = cv == 2
                    npref = plsc.cumsum(mneg.astype(jnp.int32))

                    @pl.when(cn < negcap)
                    def _():
                        plsc.store_scatter(neg_v, [cn + npref - 1], idxv, mask=mneg)

                    cn = jnp.minimum(cn + jnp.max(npref), negcap)
                    return (cp, cn)

                def step_pos(k, cc):
                    cp, cn = cc
                    off = k * LN
                    cv = code_c[pl.ds(off, LN)]
                    idxv = c * CHUNK + off + iota
                    return (pos_part(cp, off, cv, idxv), cn)

                return lax.cond(
                    carry[1] < negcap,
                    lambda cc: lax.fori_loop(0, CHUNK // LN, step_full, cc),
                    lambda cc: lax.fori_loop(0, CHUNK // LN, step_pos, cc),
                    carry)

            cp, cn = lax.fori_loop(0, nch, chunk, (jnp.int32(0), jnp.int32(0)))
            cnt_v[pl.ds(0, LN)] = jnp.where(
                iota == 0, cp, jnp.where(iota == 1, cn, 0))
            pltpu.sync_copy(piou_v.at[pl.ds(0, PCAP)],
                            piou_hbm.at[pl.ds(pl.multiple_of(b * PCAP, 8), PCAP)])
            pltpu.sync_copy(pidx_v.at[pl.ds(0, PCAP)],
                            pidx_hbm.at[pl.ds(pl.multiple_of(b * PCAP, 8), PCAP)])
            pltpu.sync_copy(neg_v.at[pl.ds(0, negcap)],
                            neg_hbm.at[pl.ds(pl.multiple_of(b * negcap, 8), negcap)])
            pltpu.sync_copy(cnt_v, cnt_hbm.at[pl.ds(pl.multiple_of(b * LN, 8), LN)])

    return k2


def _rank_body(iouc, iour, cnt, out_ref):
    i = pl.program_id(1)
    j = pl.program_id(2)
    P = jnp.max(cnt[0])
    live = (i * IB < P) & (j * JB < P)

    @pl.when(live)
    def _():
        ivals = iouc[0]
        jvals = iour[0, 0]
        ig = lax.broadcasted_iota(jnp.int32, (IB, JB), 0) + i * IB
        jg = lax.broadcasted_iota(jnp.int32, (IB, JB), 1) + j * JB
        before = (jvals > ivals) | ((jvals == ivals) & (jg < ig))
        acc = jnp.sum(before.astype(jnp.int32), axis=1, keepdims=True)

        @pl.when(j == 0)
        def _():
            out_ref[0] = acc

        @pl.when(j != 0)
        def _():
            out_ref[0] += acc

    @pl.when(jnp.logical_not(live) & (j == 0))
    def _():
        out_ref[0] = jnp.zeros((IB, 1), jnp.int32)


def _run_rank(B, pos_iou, counts):
    pos_iou_col = pos_iou[..., None]
    ranks = pl.pallas_call(
        _rank_body,
        grid=(B, PCAP // IB, PCAP // JB),
        in_specs=[
            pl.BlockSpec((1, IB, 1), lambda b, i, j: (b, i, 0)),
            pl.BlockSpec((1, 1, JB), lambda b, i, j: (b, 0, j)),
            pl.BlockSpec((1, 1, 1), lambda b, i, j: (b, 0, 0)),
        ],
        out_specs=pl.BlockSpec((1, IB, 1), lambda b, i, j: (b, i, 0)),
        out_shape=jax.ShapeDtypeStruct((B, PCAP, 1), jnp.int32),
    )(pos_iou_col, pos_iou[:, None, :], counts[:, 0:1, None])
    return ranks.reshape(B, PCAP)


def _make_scatter_gather(B, A, G, negcap, num_pos):
    info = plsc.get_sparse_core_info()
    nc = info.num_cores
    mesh = plsc.VectorSubcoreMesh(core_axis_name="c", subcore_axis_name="s")
    shift = G.bit_length() - 1 if G & (G - 1) == 0 else None

    @functools.partial(
        pl.kernel,
        mesh=mesh,
        out_type=[jax.ShapeDtypeStruct((B * A,), jnp.float32)] * 4,
        scratch_types=[
            pltpu.VMEM((A + LN,), jnp.int32),
            pltpu.VMEM((PCAP,), jnp.int32),
            pltpu.VMEM((PCAP,), jnp.int32),
            pltpu.VMEM((negcap,), jnp.int32),
            pltpu.VMEM((A,), jnp.float32),
            pltpu.VMEM((A,), jnp.float32),
            pltpu.VMEM((LN,), jnp.int32),
        ],
        compiler_params=pltpu.CompilerParams(needs_layout_passes=False),
    )
    def k4(pidx_hbm, ranks_hbm, cnt_hbm, neg_hbm, x1_hbm, y1_hbm, x2_hbm,
           y2_hbm, o1_hbm, o2_hbm, o3_hbm, o4_hbm,
           order_v, ranks_v, pidx_v, neg_v, comp_v, gout_v, cnt_v):
        wid = lax.axis_index("s") * nc + lax.axis_index("c")

        @pl.when(wid < B)
        def _():
            b = wid
            iota = lax.iota(jnp.int32, LN)
            pltpu.sync_copy(cnt_hbm.at[pl.ds(pl.multiple_of(b * LN, 8), LN)], cnt_v)
            cvec = cnt_v[pl.ds(0, LN)]
            P = jnp.max(jnp.where(iota == 0, cvec, 0))
            S_p = jnp.minimum(P, num_pos)

            def zbody(k, _):
                order_v[pl.ds(k * LN, LN)] = jnp.zeros((LN,), jnp.int32)
                return 0

            lax.fori_loop(0, (A + LN) // LN, zbody, 0)
            pltpu.sync_copy(pidx_hbm.at[pl.ds(pl.multiple_of(b * PCAP, 8), PCAP)], pidx_v)
            pltpu.sync_copy(ranks_hbm.at[pl.ds(pl.multiple_of(b * PCAP, 8), PCAP)], ranks_v)
            pltpu.sync_copy(neg_hbm.at[pl.ds(pl.multiple_of(b * negcap, 8), negcap)], neg_v)

            def scat(k, _):
                off = k * LN
                rv = ranks_v[pl.ds(off, LN)]
                vv = pidx_v[pl.ds(off, LN)]
                m = ((off + iota) < P) & (rv < num_pos)
                plsc.store_scatter(order_v, [rv], vv, mask=m)
                return 0

            lax.fori_loop(0, PCAP // LN, scat, 0)

            ncopy = (A - S_p + (LN - 1)) // LN

            def negc(j, _):
                order_v[pl.ds(S_p + j * LN, LN)] = neg_v[pl.ds(j * LN, LN)]
                return 0

            lax.fori_loop(0, ncopy, negc, 0)

            for src, dst in ((x1_hbm, o1_hbm), (y1_hbm, o2_hbm),
                             (x2_hbm, o3_hbm), (y2_hbm, o4_hbm)):
                pltpu.sync_copy(src.at[pl.ds(pl.multiple_of(b * A, 8), A)], comp_v)

                def gbody(k, _):
                    ov = order_v[pl.ds(k * LN, LN)]
                    if shift is not None:
                        av = lax.shift_right_logical(ov, shift)
                    else:
                        av = ov // G
                    gout_v[pl.ds(k * LN, LN)] = plsc.load_gather(comp_v, [av])
                    return 0

                lax.fori_loop(0, A // LN, gbody, 0)
                pltpu.sync_copy(gout_v, dst.at[pl.ds(pl.multiple_of(b * A, 8), A)])

    return k4


def _make_offsets_body(num_pos, A):
    def body(x1, y1, x2, y2, b1, b2, b3, b4, cnt,
             tx_ref, ty_ref, tw_ref, th_ref, obj_ref):
        ax1, ay1, ax2, ay2 = x1[0], y1[0], x2[0], y2[0]
        acx = (ax1 + ax2) / 2.0
        acy = (ay1 + ay2) / 2.0
        aw = ax2 - ax1
        ah = ay2 - ay1
        bx1 = b1[0] * (FM_W / TM_W)
        by1 = b2[0] * (FM_H / TM_H)
        bx2 = b3[0] * (FM_W / TM_W)
        by2 = b4[0] * (FM_H / TM_H)
        bcx = (bx1 + bx2) / 2.0
        bcy = (by1 + by2) / 2.0
        bw = bx2 - bx1
        bh = by2 - by1
        tx_ref[0] = (bcx - acx) / aw
        ty_ref[0] = (bcy - acy) / ah
        tw_ref[0] = jnp.log(bw / aw)
        th_ref[0] = jnp.log(bh / ah)
        S_p = jnp.minimum(cnt[0], num_pos)
        pos_iota = lax.broadcasted_iota(jnp.int32, (1, A), 1)
        obj_ref[0] = (pos_iota < S_p).astype(jnp.float32)

    return body


def _run_offsets(B, A, num_pos, gcomps, b0cols, cnt_col):
    return pl.pallas_call(
        _make_offsets_body(num_pos, A),
        grid=(B,),
        in_specs=[pl.BlockSpec((1, 1, A), lambda b: (b, 0, 0))] * 4
        + [pl.BlockSpec((1, 1, 1), lambda b: (b, 0, 0))] * 5,
        out_specs=[pl.BlockSpec((1, 1, A), lambda b: (b, 0, 0))] * 5,
        out_shape=[jax.ShapeDtypeStruct((B, 1, A), jnp.float32)] * 5,
    )(*[g[:, None, :] for g in gcomps], *[c[:, :, None] for c in b0cols],
      cnt_col[:, :, None])


def kernel(anchors, gt_bboxes, gt_orig_classes):
    B, A, _ = anchors.shape
    G = gt_bboxes.shape[1]
    N = A * G
    num_neg = int(RATIO * A)
    num_pos = A - num_neg
    negcap = A + LN

    comps = [anchors[..., i] for i in range(4)]
    gcols = [gt_bboxes[..., i][..., None] for i in range(4)]

    comps3 = [c[:, None, :] for c in comps]
    iou_t, code_t = _run_iou_code(B, A, G, comps3, gcols)
    iou_flat = iou_t.transpose(0, 2, 1).reshape(B, N)
    code_flat = code_t.transpose(0, 2, 1).reshape(B, N)

    k2 = _make_compact(B, N, negcap)
    pos_iou, pos_idx, neg_idx, counts = k2(
        iou_flat.reshape(-1), code_flat.reshape(-1))
    pos_iou = pos_iou.reshape(B, PCAP)
    pos_idx = pos_idx.reshape(B, PCAP)
    neg_idx = neg_idx.reshape(B, negcap)
    counts = counts.reshape(B, LN)

    ranks = _run_rank(B, pos_iou, counts)

    k4 = _make_scatter_gather(B, A, G, negcap, num_pos)
    g1, g2, g3, g4 = (g.reshape(B, A) for g in k4(
        pos_idx.reshape(-1), ranks.reshape(-1), counts.reshape(-1),
        neg_idx.reshape(-1), *[c.reshape(-1) for c in comps]))

    b0cols = [gt_bboxes[:, 0, i][:, None] for i in range(4)]
    cnt_col = counts[:, 0:1]
    tx, ty, tw, th, obj = (o[:, 0, :] for o in _run_offsets(
        B, A, num_pos, (g1, g2, g3, g4), b0cols, cnt_col))

    all_anchors = jnp.stack([g1, g2, g3, g4], axis=-1)
    gt_conf = obj[..., None]
    gt_cls = jnp.broadcast_to(
        gt_orig_classes[:, 0][:, None, None], (B, A, 1)
    ).astype(gt_orig_classes.dtype)
    gt_off = jnp.stack([tx, ty, tw, th], axis=-1)
    return all_anchors, gt_conf, gt_cls, gt_off

# --- scband reference (transcript-rebuilt; emitter-appended) ---
"""Pipeline reference for scband-proposal-generator-2869038154305 (READ-ONLY COPY).

The authoritative reference and input builder live on the scoring server;
editing this copy changes nothing except your own understanding.
"""

import jax, jax.numpy as jnp
import numpy as np

FM_W, FM_H = 50.0, 50.0
TM_W, TM_H = 800.0, 800.0
POS_TH = 0.7
NEG_TH = 0.3
MIN_POS_TH = 0.5 * NEG_TH
RATIO = 0.5


def _make_boxes(key, prefix, lo, hi, extent):
    k1, k2, k3, k4 = jax.random.split(key, 4)
    cx = jax.random.uniform(k1, prefix) * extent
    cy = jax.random.uniform(k2, prefix) * extent
    w = lo + jax.random.uniform(k3, prefix) * (hi - lo)
    h = lo + jax.random.uniform(k4, prefix) * (hi - lo)
    x1 = jnp.clip(cx - w / 2.0, 0.0, extent)
    y1 = jnp.clip(cy - h / 2.0, 0.0, extent)
    x2 = jnp.clip(cx + w / 2.0, 0.0, extent)
    y2 = jnp.clip(cy + h / 2.0, 0.0, extent)
    return jnp.stack([x1, y1, x2, y2], axis=-1).astype(jnp.float32)


def setup_inputs(seed: int = 0):
    key = jax.random.key(seed)
    ka, kb, kc = jax.random.split(key, 3)
    anchors = _make_boxes(ka, (4, 20000), 2.0, 8.0, 50.0)
    gt_bboxes = _make_boxes(kb, (4, 16), 32.0, 128.0, 800.0)
    gt_orig_classes = jax.random.randint(kc, (4, 16), 0, 80)
    return {"anchors": anchors, "gt_bboxes": gt_bboxes, "gt_orig_classes": gt_orig_classes}


def box_iou(a, b):
    area_a = (a[:, 2] - a[:, 0]) * (a[:, 3] - a[:, 1])
    area_b = (b[:, 2] - b[:, 0]) * (b[:, 3] - b[:, 1])
    lt = jnp.maximum(a[:, None, :2], b[None, :, :2])
    rb = jnp.minimum(a[:, None, 2:], b[None, :, 2:])
    wh = jnp.clip(rb - lt, 0.0, None)
    inter = wh[..., 0] * wh[..., 1]
    return inter / (area_a[:, None] + area_b[None, :] - inter)


def generalize_tm2fm(b):
    scale = jnp.array([FM_W / TM_W, FM_H / TM_H, FM_W / TM_W, FM_H / TM_H], dtype=b.dtype)
    return b * scale


def to_cxcywh(b):
    cx = (b[..., 0] + b[..., 2]) / 2.0
    cy = (b[..., 1] + b[..., 3]) / 2.0
    w = b[..., 2] - b[..., 0]
    h = b[..., 3] - b[..., 1]
    return jnp.stack([cx, cy, w, h], axis=-1)


def get_offsets(anchor_boxes, boxes):
    a = to_cxcywh(anchor_boxes)
    bb = to_cxcywh(boxes)
    tx = (bb[..., 0] - a[..., 0]) / a[..., 2]
    ty = (bb[..., 1] - a[..., 1]) / a[..., 3]
    tw = jnp.log(bb[..., 2] / a[..., 2])
    th = jnp.log(bb[..., 3] / a[..., 3])
    return jnp.stack([tx, ty, tw, th], axis=1)


def reference(anchors, gt_bboxes, gt_orig_classes):
    A = anchors.shape[1]
    num_neg = int(RATIO * A)
    num_pos = A - num_neg
    bboxes_gen = generalize_tm2fm(gt_bboxes)
    all_anchors, gt_conf, gt_cls, gt_off = [], [], [], []
    for b in range(anchors.shape[0]):
        anc0 = anchors[b]
        valid = (anc0[:, 0] >= 0) & (anc0[:, 1] >= 0) & (anc0[:, 2] <= FM_W) & (anc0[:, 3] <= FM_H)
        boxes = bboxes_gen[b]
        G = boxes.shape[0]
        iou = box_iou(anc0, boxes)
        flat = iou.reshape(-1)
        rowmax = jnp.max(iou, axis=1, keepdims=True)
        pos_mask = (((iou == rowmax) & (iou > MIN_POS_TH)) | (iou >= POS_TH)) & valid[:, None]
        neg_mask = (iou < NEG_TH) & (~pos_mask) & valid[:, None]
        posf = pos_mask.reshape(-1)
        negf = neg_mask.reshape(-1)
        N = flat.shape[0]
        pos_key = jnp.where(posf, -flat, jnp.inf)
        pos_order = jnp.argsort(pos_key)
        pos_rank = jnp.argsort(pos_order)
        P = jnp.sum(posf)
        remaining = jnp.maximum(num_pos - P, 0)
        pos_sel = posf & (pos_rank < num_pos)
        neg_rank = jnp.cumsum(negf) - 1
        neg_sel = negf & (neg_rank < num_neg + remaining)
        idx = jnp.arange(N)
        final_key = jnp.where(
            pos_sel,
            pos_rank.astype(jnp.float32),
            jnp.where(neg_sel, (num_pos + idx).astype(jnp.float32), jnp.inf),
        )
        sel = jnp.argsort(final_key)[:A]
        conf_scores = flat[sel].reshape(-1, 1)
        anchor_boxes = anc0[sel // G]
        objectness = jnp.where(pos_sel[sel], 1.0, 0.0).astype(jnp.float32).reshape(-1, 1)
        n = anchor_boxes.shape[0]
        # getMappedBBoxes: torch.where(mask)[0] on a [1, G] mask returns the ROW index (always 0),
        # so every anchor is mapped to gt box 0 / gt class 0 (faithful to the source bug).
        mapped_boxes = jnp.broadcast_to(boxes[0], (n, 4))
        mapped_classes = jnp.full((n, 1), gt_orig_classes[b, 0], dtype=gt_orig_classes.dtype)
        offsets = get_offsets(anchor_boxes, mapped_boxes)
        _ = conf_scores
        all_anchors.append(anchor_boxes)
        gt_conf.append(objectness)
        gt_cls.append(mapped_classes)
        gt_off.append(offsets)
    return (jnp.stack(all_anchors), jnp.stack(gt_conf), jnp.stack(gt_cls), jnp.stack(gt_off))

if __name__ == "__main__":
    import jax
    _d = setup_inputs()
    print(jax.jit(kernel)(*tuple(_d.values())))

</pallas_src>

<mosaic_0001>
#map = affine_map<(d0, d1) -> (0)>
module attributes {stable_mosaic.version = 14 : i64} {
  func.func @k2(%arg0: i32, %arg1: i32, %arg2: memref<1280000xf32, #tpu.memory_space<hbm>>, %arg3: memref<1280000xi32, #tpu.memory_space<hbm>>, %arg4: memref<40960xf32, #tpu.memory_space<hbm>>, %arg5: memref<40960xi32, #tpu.memory_space<hbm>>, %arg6: memref<80064xi32, #tpu.memory_space<hbm>>, %arg7: memref<64xi32, #tpu.memory_space<hbm>>, %arg8: memref<8000xf32, #tpu.memory_space<vmem>>, %arg9: memref<8000xi32, #tpu.memory_space<vmem>>, %arg10: memref<10256xf32, #tpu.memory_space<vmem>>, %arg11: memref<10256xi32, #tpu.memory_space<vmem>>, %arg12: memref<20032xi32, #tpu.memory_space<vmem>>, %arg13: memref<16xi32, #tpu.memory_space<vmem>>) attributes {dimension_semantics = [#tpu.dimension_semantics<core_parallel>, #tpu.dimension_semantics<subcore_parallel>], iteration_bounds = array<i64: 2, 16>, scalar_prefetch = 0 : i64, scratch_operands = 6 : i64, tpu.core_type = #tpu.core_type<sc_vector_subcore>, window_params = [{transform_indices = #map}, {transform_indices = #map}, {transform_indices = #map}, {transform_indices = #map}, {transform_indices = #map}, {transform_indices = #map}]} {
    %mul3A = arith.constant 2 : i32
    %mul3A_0 = arith.muli %arg1, %mul3A : i32
    %add3A = arith.addi %mul3A_0, %arg0 : i32
    %lt3A = arith.constant 4 : i32
    %lt3A_1 = arith.cmpi slt, %add3A, %lt3A : i32
    %convert_element_type3A = arith.extui %lt3A_1 : i1 to i32
    %cond3A = arith.constant 0 : i32
    %cond3A_2 = arith.cmpi ne, %convert_element_type3A, %cond3A : i32
    scf.if %cond3A_2 {
      %iota3A = tpu.iota {dimensions = array<i32: 0>} : vector<16xi32>
      %scan3A = arith.constant 0 : i32
      %scan3A_3 = arith.constant 0 : i32
      %scan3A_4 = arith.constant 641 : i32
      %scan3A_5 = arith.addi %scan3A_3, %scan3A_4 : i32
      %scan3A_6 = arith.constant 1 : i32
      %scan3A_7 = scf.for %scan3A_37 = %scan3A_3 to %scan3A_5 step %scan3A_6 iter_args(%scan3A_38 = %scan3A) -> (i32)  : i32 {
        %broadcast_in_dim3A_39 = arith.constant -1.000000e+00 : f32
        %broadcast_in_dim3A_40 = vector.broadcast %broadcast_in_dim3A_39 : f32 to vector<16xf32>
        %mul3A_41 = arith.constant 16 : i32
        %mul3A_42 = arith.muli %scan3A_37, %mul3A_41 : i32
        %swap3A_43 = arith.index_cast %mul3A_42 : i32 to index
        %swap3A_44 = tpu.vector_load %arg10[%swap3A_43] {strides = array<i32>} : memref<10256xf32, #tpu.memory_space<vmem>>, vector<16xf32>,
        tpu.vector_store %arg10[%swap3A_43], %broadcast_in_dim3A_40 {strides = array<i32>} : memref<10256xf32, #tpu.memory_space<vmem>>, vector<16xf32>,
        %broadcast_in_dim3A_45 = arith.constant 0 : i32
        %broadcast_in_dim3A_46 = vector.broadcast %broadcast_in_dim3A_45 : i32 to vector<16xi32>
        %mul3A_47 = arith.constant 16 : i32
        %mul3A_48 = arith.muli %scan3A_37, %mul3A_47 : i32
        %swap3A_49 = arith.index_cast %mul3A_48 : i32 to index
        %swap3A_50 = tpu.vector_load %arg11[%swap3A_49] {strides = array<i32>} : memref<10256xi32, #tpu.memory_space<vmem>>, vector<16xi32>,
        tpu.vector_store %arg11[%swap3A_49], %broadcast_in_dim3A_46 {strides = array<i32>} : memref<10256xi32, #tpu.memory_space<vmem>>, vector<16xi32>,
        %scan3A_51 = arith.constant 0 : i32
        scf.yield %scan3A_51 : i32
      }
      %scan3A_8 = arith.constant 641 : i32
      %scan3A_9 = arith.constant 0 : i32
      %scan3A_10 = arith.constant 0 : i32
      %scan3A_11 = arith.constant 0 : i32
      %scan3A_12 = arith.constant 40 : i32
      %scan3A_13 = arith.addi %scan3A_11, %scan3A_12 : i32
      %scan3A_14 = arith.constant 1 : i32
      %scan3A_15:2 = scf.for %scan3A_37 = %scan3A_11 to %scan3A_13 step %scan3A_14 iter_args(%scan3A_38 = %scan3A_9, %scan3A_39 = %scan3A_10) -> (i32, i32)  : i32 {
        %mul3A_40 = arith.constant 320000 : i32
        %mul3A_41 = arith.muli %add3A, %mul3A_40 : i32
        %mul3A_42 = arith.constant 8000 : i32
        %mul3A_43 = arith.muli %scan3A_37, %mul3A_42 : i32
        %add3A_44 = arith.addi %mul3A_41, %mul3A_43 : i32
        %multiple_of3A_45 = tpu.assume_multiple %add3A_44, 8 : i32
        "tpu.region"() ({
          %run_scoped3A = tpu.sem_alloc : memref<!tpu.dma_semaphore, #tpu.memory_space<semaphore_mem>>
          %dma_start3A = tpu.memref_slice %arg2[%multiple_of3A_45] : memref<1280000xf32, #tpu.memory_space<hbm>> -> memref<8000xf32, #tpu.memory_space<hbm>>
          %dma_start3A_52 = tpu.memref_slice %arg2[%multiple_of3A_45] : memref<1280000xf32, #tpu.memory_space<hbm>> -> memref<8000xf32, #tpu.memory_space<hbm>>
          tpu.enqueue_dma source(%dma_start3A_52 : memref<8000xf32, #tpu.memory_space<hbm>>) target(%arg8 : memref<8000xf32, #tpu.memory_space<vmem>>) target_semaphore(%run_scoped3A : memref<!tpu.dma_semaphore, #tpu.memory_space<semaphore_mem>>)
          %dma_wait3A = tpu.memref_slice %arg2[%multiple_of3A_45] : memref<1280000xf32, #tpu.memory_space<hbm>> -> memref<8000xf32, #tpu.memory_space<hbm>>
          %dma_wait3A_53 = tpu.memref_slice %arg2[%multiple_of3A_45] : memref<1280000xf32, #tpu.memory_space<hbm>> -> memref<8000xf32, #tpu.memory_space<hbm>>
          tpu.wait_dma2 semaphore(%run_scoped3A : memref<!tpu.dma_semaphore, #tpu.memory_space<semaphore_mem>>) src(%dma_wait3A_53 : memref<8000xf32, #tpu.memory_space<hbm>>) dst(%arg8 : memref<8000xf32, #tpu.memory_space<vmem>>)
          tpu.yield
        }) : () -> ()
        "tpu.region"() ({
          %run_scoped3A = tpu.sem_alloc : memref<!tpu.dma_semaphore, #tpu.memory_space<semaphore_mem>>
          %dma_start3A = tpu.memref_slice %arg3[%multiple_of3A_45] : memref<1280000xi32, #tpu.memory_space<hbm>> -> memref<8000xi32, #tpu.memory_space<hbm>>
          %dma_start3A_52 = tpu.memref_slice %arg3[%multiple_of3A_45] : memref<1280000xi32, #tpu.memory_space<hbm>> -> memref<8000xi32, #tpu.memory_space<hbm>>
          tpu.enqueue_dma source(%dma_start3A_52 : memref<8000xi32, #tpu.memory_space<hbm>>) target(%arg9 : memref<8000xi32, #tpu.memory_space<vmem>>) target_semaphore(%run_scoped3A : memref<!tpu.dma_semaphore, #tpu.memory_space<semaphore_mem>>)
          %dma_wait3A = tpu.memref_slice %arg3[%multiple_of3A_45] : memref<1280000xi32, #tpu.memory_space<hbm>> -> memref<8000xi32, #tpu.memory_space<hbm>>
          %dma_wait3A_53 = tpu.memref_slice %arg3[%multiple_of3A_45] : memref<1280000xi32, #tpu.memory_space<hbm>> -> memref<8000xi32, #tpu.memory_space<hbm>>
          tpu.wait_dma2 semaphore(%run_scoped3A : memref<!tpu.dma_semaphore, #tpu.memory_space<semaphore_mem>>) src(%dma_wait3A_53 : memref<8000xi32, #tpu.memory_space<hbm>>) dst(%arg9 : memref<8000xi32, #tpu.memory_space<vmem>>)
          tpu.yield
        }) : () -> ()
        %lt3A_46 = arith.constant 20016 : i32
        %lt3A_47 = arith.cmpi slt, %scan3A_39, %lt3A_46 : i32
        %convert_element_type3A_48 = arith.extui %lt3A_47 : i1 to i32
        %cond3A_49 = arith.constant 0 : i32
        %cond3A_50 = arith.cmpi ne, %convert_element_type3A_48, %cond3A_49 : i32
        %cond3A_51:2 = scf.if %cond3A_50 -> (i32, i32) {
          %scan3A_52 = arith.constant 0 : i32
          %scan3A_53 = arith.constant 500 : i32
          %scan3A_54 = arith.addi %scan3A_52, %scan3A_53 : i32
          %scan3A_55 = arith.constant 1 : i32
          %scan3A_56:2 = scf.for %scan3A_58 = %scan3A_52 to %scan3A_54 step %scan3A_55 iter_args(%scan3A_59 = %scan3A_38, %scan3A_60 = %scan3A_39) -> (i32, i32)  : i32 {
            %mul3A_61 = arith.constant 16 : i32
            %mul3A_62 = arith.muli %scan3A_58, %mul3A_61 : i32
            %get3A = arith.index_cast %mul3A_62 : i32 to index
            %get3A_63 = tpu.vector_load %arg9[%get3A] {strides = array<i32>} : memref<8000xi32, #tpu.memory_space<vmem>>, vector<16xi32>,
            %mul3A_64 = arith.constant 8000 : i32
            %mul3A_65 = arith.muli %scan3A_37, %mul3A_64 : i32
            %add3A_66 = arith.addi %mul3A_65, %mul3A_62 : i32
            %add3A_67 = vector.broadcast %add3A_66 : i32 to vector<16xi32>
            %add3A_68 = arith.addi %add3A_67, %iota3A : vector<16xi32>
            %get3A_69 = arith.index_cast %mul3A_62 : i32 to index
            %get3A_70 = tpu.vector_load %arg8[%get3A_69] {strides = array<i32>} : memref<8000xf32, #tpu.memory_space<vmem>>, vector<16xf32>,
            %eq3A_71 = arith.constant 1 : i32
            %eq3A_72 = vector.broadcast %eq3A_71 : i32 to vector<16xi32>
            %eq3A_73 = arith.cmpi eq, %get3A_63, %eq3A_72 : vector<16xi32>
            %convert_element_type3A_74 = arith.extui %eq3A_73 : vector<16xi1> to vector<16xi32>
            %broadcast_in_dim3A_75 = arith.constant true
            %broadcast_in_dim3A_76 = vector.broadcast %broadcast_in_dim3A_75 : i1 to vector<16xi1>
            %masked_cumsum3A = tpu.scan <sum>, %convert_element_type3A_74 masked %broadcast_in_dim3A_76 : vector<16xi32>, vector<16xi1> -> vector<16xi32>
            %add3A_77 = vector.broadcast %scan3A_59 : i32 to vector<16xi32>
            %add3A_78 = arith.addi %add3A_77, %masked_cumsum3A : vector<16xi32>
            %sub3A = arith.constant 1 : i32
            %sub3A_79 = vector.broadcast %sub3A : i32 to vector<16xi32>
            %sub3A_80 = arith.subi %add3A_78, %sub3A_79 : vector<16xi32>
            tpu.vector_store_idx %arg10[%sub3A_80], %get3A_70 masked %eq3A_73 : memref<10256xf32, #tpu.memory_space<vmem>>[vector<16xi32>], vector<16xf32>, vector<16xi1>
            tpu.vector_store_idx %arg11[%sub3A_80], %add3A_68 masked %eq3A_73 : memref<10256xi32, #tpu.memory_space<vmem>>[vector<16xi32>], vector<16xi32>, vector<16xi1>
            %reduce_max3A = arith.constant true
            %reduce_max3A_81 = vector.broadcast %reduce_max3A : i1 to vector<16xi1>
            %reduce_max3A_82 = arith.constant -2147483648 : i32
            %reduce_max3A_83 = vector.broadcast %reduce_max3A_82 : i32 to vector<16xi32>
            %reduce_max3A_84 = arith.xori %masked_cumsum3A, %reduce_max3A_83 : vector<16xi32>
            %reduce_max3A_85 = tpu.scan <max>, %reduce_max3A_84 masked %reduce_max3A_81 : vector<16xi32>, vector<16xi1> -> vector<16xi32>
            %reduce_max3A_86 = arith.xori %reduce_max3A_85, %reduce_max3A_83 : vector<16xi32>
            %reduce_max3A_87 = vector.extract %reduce_max3A_86[15] : i32 from vector<16xi32>
            %add3A_88 = arith.addi %scan3A_59, %reduce_max3A_87 : i32
            %min3A = arith.constant 10240 : i32
            %min3A_89 = arith.minsi %add3A_88, %min3A : i32
            %eq3A_90 = arith.constant 2 : i32
            %eq3A_91 = vector.broadcast %eq3A_90 : i32 to vector<16xi32>
            %eq3A_92 = arith.cmpi eq, %get3A_63, %eq3A_91 : vector<16xi32>
            %convert_element_type3A_93 = arith.extui %eq3A_92 : vector<16xi1> to vector<16xi32>
            %broadcast_in_dim3A_94 = arith.constant true
            %broadcast_in_dim3A_95 = vector.broadcast %broadcast_in_dim3A_94 : i1 to vector<16xi1>
            %masked_cumsum3A_96 = tpu.scan <sum>, %convert_element_type3A_93 masked %broadcast_in_dim3A_95 : vector<16xi32>, vector<16xi1> -> vector<16xi32>
            %lt3A_97 = arith.constant 20016 : i32
            %lt3A_98 = arith.cmpi slt, %scan3A_60, %lt3A_97 : i32
            %convert_element_type3A_99 = arith.extui %lt3A_98 : i1 to i32
            %cond3A_100 = arith.constant 0 : i32
            %cond3A_101 = arith.cmpi ne, %convert_element_type3A_99, %cond3A_100 : i32
            scf.if %cond3A_101 {
              %add3A_113 = vector.broadcast %scan3A_60 : i32 to vector<16xi32>
              %add3A_114 = arith.addi %add3A_113, %masked_cumsum3A_96 : vector<16xi32>
              %sub3A_115 = arith.constant 1 : i32
              %sub3A_116 = vector.broadcast %sub3A_115 : i32 to vector<16xi32>
              %sub3A_117 = arith.subi %add3A_114, %sub3A_116 : vector<16xi32>
              tpu.vector_store_idx %arg12[%sub3A_117], %add3A_68 masked %eq3A_92 : memref<20032xi32, #tpu.memory_space<vmem>>[vector<16xi32>], vector<16xi32>, vector<16xi1>
            } else {
            }
            %reduce_max3A_102 = arith.constant true
            %reduce_max3A_103 = vector.broadcast %reduce_max3A_102 : i1 to vector<16xi1>
            %reduce_max3A_104 = arith.constant -2147483648 : i32
            %reduce_max3A_105 = vector.broadcast %reduce_max3A_104 : i32 to vector<16xi32>
            %reduce_max3A_106 = arith.xori %masked_cumsum3A_96, %reduce_max3A_105 : vector<16xi32>
            %reduce_max3A_107 = tpu.scan <max>, %reduce_max3A_106 masked %reduce_max3A_103 : vector<16xi32>, vector<16xi1> -> vector<16xi32>
            %reduce_max3A_108 = arith.xori %reduce_max3A_107, %reduce_max3A_105 : vector<16xi32>
            %reduce_max3A_109 = vector.extract %reduce_max3A_108[15] : i32 from vector<16xi32>
            %add3A_110 = arith.addi %scan3A_60, %reduce_max3A_109 : i32
            %min3A_111 = arith.constant 20016 : i32
            %min3A_112 = arith.minsi %add3A_110, %min3A_111 : i32
            scf.yield %min3A_89, %min3A_112 : i32, i32
          }
          %scan3A_57 = arith.constant 500 : i32
          scf.yield %scan3A_56#0, %scan3A_56#1 : i32, i32
        } else {
          %scan3A_52 = arith.constant 0 : i32
          %scan3A_53 = arith.constant 500 : i32
          %scan3A_54 = arith.addi %scan3A_52, %scan3A_53 : i32
          %scan3A_55 = arith.constant 1 : i32
          %scan3A_56 = scf.for %scan3A_58 = %scan3A_52 to %scan3A_54 step %scan3A_55 iter_args(%scan3A_59 = %scan3A_38) -> (i32)  : i32 {
            %mul3A_60 = arith.constant 16 : i32
            %mul3A_61 = arith.muli %scan3A_58, %mul3A_60 : i32
            %get3A = arith.index_cast %mul3A_61 : i32 to index
            %get3A_62 = tpu.vector_load %arg9[%get3A] {strides = array<i32>} : memref<8000xi32, #tpu.memory_space<vmem>>, vector<16xi32>,
            %mul3A_63 = arith.constant 8000 : i32
            %mul3A_64 = arith.muli %scan3A_37, %mul3A_63 : i32
            %add3A_65 = arith.addi %mul3A_64, %mul3A_61 : i32
            %add3A_66 = vector.broadcast %add3A_65 : i32 to vector<16xi32>
            %add3A_67 = arith.addi %add3A_66, %iota3A : vector<16xi32>
            %get3A_68 = arith.index_cast %mul3A_61 : i32 to index
            %get3A_69 = tpu.vector_load %arg8[%get3A_68] {strides = array<i32>} : memref<8000xf32, #tpu.memory_space<vmem>>, vector<16xf32>,
            %eq3A_70 = arith.constant 1 : i32
            %eq3A_71 = vector.broadcast %eq3A_70 : i32 to vector<16xi32>
            %eq3A_72 = arith.cmpi eq, %get3A_62, %eq3A_71 : vector<16xi32>
            %convert_element_type3A_73 = arith.extui %eq3A_72 : vector<16xi1> to vector<16xi32>
            %broadcast_in_dim3A_74 = arith.constant true
            %broadcast_in_dim3A_75 = vector.broadcast %broadcast_in_dim3A_74 : i1 to vector<16xi1>
            %masked_cumsum3A = tpu.scan <sum>, %convert_element_type3A_73 masked %broadcast_in_dim3A_75 : vector<16xi32>, vector<16xi1> -> vector<16xi32>
            %add3A_76 = vector.broadcast %scan3A_59 : i32 to vector<16xi32>
            %add3A_77 = arith.addi %add3A_76, %masked_cumsum3A : vector<16xi32>
            %sub3A = arith.constant 1 : i32
            %sub3A_78 = vector.broadcast %sub3A : i32 to vector<16xi32>
            %sub3A_79 = arith.subi %add3A_77, %sub3A_78 : vector<16xi32>
            tpu.vector_store_idx %arg10[%sub3A_79], %get3A_69 masked %eq3A_72 : memref<10256xf32, #tpu.memory_space<vmem>>[vector<16xi32>], vector<16xf32>, vector<16xi1>
            tpu.vector_store_idx %arg11[%sub3A_79], %add3A_67 masked %eq3A_72 : memref<10256xi32, #tpu.memory_space<vmem>>[vector<16xi32>], vector<16xi32>, vector<16xi1>
            %reduce_max3A = arith.constant true
            %reduce_max3A_80 = vector.broadcast %reduce_max3A : i1 to vector<16xi1>
            %reduce_max3A_81 = arith.constant -2147483648 : i32
            %reduce_max3A_82 = vector.broadcast %reduce_max3A_81 : i32 to vector<16xi32>
            %reduce_max3A_83 = arith.xori %masked_cumsum3A, %reduce_max3A_82 : vector<16xi32>
            %reduce_max3A_84 = tpu.scan <max>, %reduce_max3A_83 masked %reduce_max3A_80 : vector<16xi32>, vector<16xi1> -> vector<16xi32>
            %reduce_max3A_85 = arith.xori %reduce_max3A_84, %reduce_max3A_82 : vector<16xi32>
            %reduce_max3A_86 = vector.extract %reduce_max3A_85[15] : i32 from vector<16xi32>
            %add3A_87 = arith.addi %scan3A_59, %reduce_max3A_86 : i32
            %min3A = arith.constant 10240 : i32
            %min3A_88 = arith.minsi %add3A_87, %min3A : i32
            scf.yield %min3A_88 : i32
          }
          %scan3A_57 = arith.constant 500 : i32
          scf.yield %scan3A_56, %scan3A_39 : i32, i32
        }
        scf.yield %cond3A_51#0, %cond3A_51#1 : i32, i32
      }
      %scan3A_16 = arith.constant 40 : i32
      %eq3A = arith.constant 0 : i32
      %eq3A_17 = vector.broadcast %eq3A : i32 to vector<16xi32>
      %eq3A_18 = arith.cmpi eq, %iota3A, %eq3A_17 : vector<16xi32>
      %eq3A_19 = arith.constant 1 : i32
      %eq3A_20 = vector.broadcast %eq3A_19 : i32 to vector<16xi32>
      %eq3A_21 = arith.cmpi eq, %iota3A, %eq3A_20 : vector<16xi32>
      %jit3A = arith.constant 0 : i32
      %broadcast_in_dim3A = vector.broadcast %scan3A_15#1 : i32 to vector<16xi32>
      %broadcast_in_dim3A_22 = vector.broadcast %jit3A : i32 to vector<16xi32>
      %select_n3A = arith.select %eq3A_21, %broadcast_in_dim3A, %broadcast_in_dim3A_22 : vector<16xi1>, vector<16xi32>
      %broadcast_in_dim3A_23 = vector.broadcast %scan3A_15#0 : i32 to vector<16xi32>
      %select_n3A_24 = arith.select %eq3A_18, %broadcast_in_dim3A_23, %select_n3A : vector<16xi1>, vector<16xi32>
      %swap3A = arith.constant 0 : index
      %swap3A_25 = tpu.vector_load %arg13[%swap3A] {strides = array<i32>} : memref<16xi32, #tpu.memory_space<vmem>>, vector<16xi32>,
      tpu.vector_store %arg13[%swap3A], %select_n3A_24 {strides = array<i32>} : memref<16xi32, #tpu.memory_space<vmem>>, vector<16xi32>,
      %mul3A_26 = arith.constant 10240 : i32
      %mul3A_27 = arith.muli %add3A, %mul3A_26 : i32
      %multiple_of3A = tpu.assume_multiple %mul3A_27, 8 : i32
      "tpu.region"() ({
        %run_scoped3A = tpu.sem_alloc : memref<!tpu.dma_semaphore, #tpu.memory_space<semaphore_mem>>
        %dma_start3A = arith.constant 0 : i32
        %dma_start3A_37 = tpu.memref_slice %arg10[%dma_start3A] : memref<10256xf32, #tpu.memory_space<vmem>> -> memref<10240xf32, #tpu.memory_space<vmem>>
        %dma_start3A_38 = tpu.memref_slice %arg4[%multiple_of3A] : memref<40960xf32, #tpu.memory_space<hbm>> -> memref<10240xf32, #tpu.memory_space<hbm>>
        %dma_start3A_39 = tpu.memref_slice %arg4[%multiple_of3A] : memref<40960xf32, #tpu.memory_space<hbm>> -> memref<10240xf32, #tpu.memory_space<hbm>>
        %dma_start3A_40 = arith.constant 0 : i32
        %dma_start3A_41 = tpu.memref_slice %arg10[%dma_start3A_40] : memref<10256xf32, #tpu.memory_space<vmem>> -> memref<10240xf32, #tpu.memory_space<vmem>>
        tpu.enqueue_dma source(%dma_start3A_41 : memref<10240xf32, #tpu.memory_space<vmem>>) target(%dma_start3A_39 : memref<10240xf32, #tpu.memory_space<hbm>>) target_semaphore(%run_scoped3A : memref<!tpu.dma_semaphore, #tpu.memory_space<semaphore_mem>>)
        %dma_wait3A = arith.constant 0 : i32
        %dma_wait3A_42 = tpu.memref_slice %arg10[%dma_wait3A] : memref<10256xf32, #tpu.memory_space<vmem>> -> memref<10240xf32, #tpu.memory_space<vmem>>
        %dma_wait3A_43 = tpu.memref_slice %arg4[%multiple_of3A] : memref<40960xf32, #tpu.memory_space<hbm>> -> memref<10240xf32, #tpu.memory_space<hbm>>
        %dma_wait3A_44 = tpu.memref_slice %arg4[%multiple_of3A] : memref<40960xf32, #tpu.memory_space<hbm>> -> memref<10240xf32, #tpu.memory_space<hbm>>
        %dma_wait3A_45 = arith.constant 0 : i32
        %dma_wait3A_46 = tpu.memref_slice %arg10[%dma_wait3A_45] : memref<10256xf32, #tpu.memory_space<vmem>> -> memref<10240xf32, #tpu.memory_space<vmem>>
        tpu.wait_dma2 semaphore(%run_scoped3A : memref<!tpu.dma_semaphore, #tpu.memory_space<semaphore_mem>>) src(%dma_wait3A_46 : memref<10240xf32, #tpu.memory_space<vmem>>) dst(%dma_wait3A_44 : memref<10240xf32, #tpu.memory_space<hbm>>)
        tpu.yield
      }) : () -> ()
      %mul3A_28 = arith.constant 10240 : i32
      %mul3A_29 = arith.muli %add3A, %mul3A_28 : i32
      %multiple_of3A_30 = tpu.assume_multiple %mul3A_29, 8 : i32
      "tpu.region"() ({
        %run_scoped3A = tpu.sem_alloc : memref<!tpu.dma_semaphore, #tpu.memory_space<semaphore_mem>>
        %dma_start3A = arith.constant 0 : i32
        %dma_start3A_37 = tpu.memref_slice %arg11[%dma_start3A] : memref<10256xi32, #tpu.memory_space<vmem>> -> memref<10240xi32, #tpu.memory_space<vmem>>
        %dma_start3A_38 = tpu.memref_slice %arg5[%multiple_of3A_30] : memref<40960xi32, #tpu.memory_space<hbm>> -> memref<10240xi32, #tpu.memory_space<hbm>>
        %dma_start3A_39 = tpu.memref_slice %arg5[%multiple_of3A_30] : memref<40960xi32, #tpu.memory_space<hbm>> -> memref<10240xi32, #tpu.memory_space<hbm>>
        %dma_start3A_40 = arith.constant 0 : i32
        %dma_start3A_41 = tpu.memref_slice %arg11[%dma_start3A_40] : memref<10256xi32, #tpu.memory_space<vmem>> -> memref<10240xi32, #tpu.memory_space<vmem>>
        tpu.enqueue_dma source(%dma_start3A_41 : memref<10240xi32, #tpu.memory_space<vmem>>) target(%dma_start3A_39 : memref<10240xi32, #tpu.memory_space<hbm>>) target_semaphore(%run_scoped3A : memref<!tpu.dma_semaphore, #tpu.memory_space<semaphore_mem>>)
        %dma_wait3A = arith.constant 0 : i32
        %dma_wait3A_42 = tpu.memref_slice %arg11[%dma_wait3A] : memref<10256xi32, #tpu.memory_space<vmem>> -> memref<10240xi32, #tpu.memory_space<vmem>>
        %dma_wait3A_43 = tpu.memref_slice %arg5[%multiple_of3A_30] : memref<40960xi32, #tpu.memory_space<hbm>> -> memref<10240xi32, #tpu.memory_space<hbm>>
        %dma_wait3A_44 = tpu.memref_slice %arg5[%multiple_of3A_30] : memref<40960xi32, #tpu.memory_space<hbm>> -> memref<10240xi32, #tpu.memory_space<hbm>>
        %dma_wait3A_45 = arith.constant 0 : i32
        %dma_wait3A_46 = tpu.memref_slice %arg11[%dma_wait3A_45] : memref<10256xi32, #tpu.memory_space<vmem>> -> memref<10240xi32, #tpu.memory_space<vmem>>
        tpu.wait_dma2 semaphore(%run_scoped3A : memref<!tpu.dma_semaphore, #tpu.memory_space<semaphore_mem>>) src(%dma_wait3A_46 : memref<10240xi32, #tpu.memory_space<vmem>>) dst(%dma_wait3A_44 : memref<10240xi32, #tpu.memory_space<hbm>>)
        tpu.yield
      }) : () -> ()
      %mul3A_31 = arith.constant 20016 : i32
      %mul3A_32 = arith.muli %add3A, %mul3A_31 : i32
      %multiple_of3A_33 = tpu.assume_multiple %mul3A_32, 8 : i32
      "tpu.region"() ({
        %run_scoped3A = tpu.sem_alloc : memref<!tpu.dma_semaphore, #tpu.memory_space<semaphore_mem>>
        %dma_start3A = arith.constant 0 : i32
        %dma_start3A_37 = tpu.memref_slice %arg12[%dma_start3A] : memref<20032xi32, #tpu.memory_space<vmem>> -> memref<20016xi32, #tpu.memory_space<vmem>>
        %dma_start3A_38 = tpu.memref_slice %arg6[%multiple_of3A_33] : memref<80064xi32, #tpu.memory_space<hbm>> -> memref<20016xi32, #tpu.memory_space<hbm>>
        %dma_start3A_39 = tpu.memref_slice %arg6[%multiple_of3A_33] : memref<80064xi32, #tpu.memory_space<hbm>> -> memref<20016xi32, #tpu.memory_space<hbm>>
        %dma_start3A_40 = arith.constant 0 : i32
        %dma_start3A_41 = tpu.memref_slice %arg12[%dma_start3A_40] : memref<20032xi32, #tpu.memory_space<vmem>> -> memref<20016xi32, #tpu.memory_space<vmem>>
        tpu.enqueue_dma source(%dma_start3A_41 : memref<20016xi32, #tpu.memory_space<vmem>>) target(%dma_start3A_39 : memref<20016xi32, #tpu.memory_space<hbm>>) target_semaphore(%run_scoped3A : memref<!tpu.dma_semaphore, #tpu.memory_space<semaphore_mem>>)
        %dma_wait3A = arith.constant 0 : i32
        %dma_wait3A_42 = tpu.memref_slice %arg12[%dma_wait3A] : memref<20032xi32, #tpu.memory_space<vmem>> -> memref<20016xi32, #tpu.memory_space<vmem>>
        %dma_wait3A_43 = tpu.memref_slice %arg6[%multiple_of3A_33] : memref<80064xi32, #tpu.memory_space<hbm>> -> memref<20016xi32, #tpu.memory_space<hbm>>
        %dma_wait3A_44 = tpu.memref_slice %arg6[%multiple_of3A_33] : memref<80064xi32, #tpu.memory_space<hbm>> -> memref<20016xi32, #tpu.memory_space<hbm>>
        %dma_wait3A_45 = arith.constant 0 : i32
        %dma_wait3A_46 = tpu.memref_slice %arg12[%dma_wait3A_45] : memref<20032xi32, #tpu.memory_space<vmem>> -> memref<20016xi32, #tpu.memory_space<vmem>>
        tpu.wait_dma2 semaphore(%run_scoped3A : memref<!tpu.dma_semaphore, #tpu.memory_space<semaphore_mem>>) src(%dma_wait3A_46 : memref<20016xi32, #tpu.memory_space<vmem>>) dst(%dma_wait3A_44 : memref<20016xi32, #tpu.memory_space<hbm>>)
        tpu.yield
      }) : () -> ()
      %mul3A_34 = arith.constant 16 : i32
      %mul3A_35 = arith.muli %add3A, %mul3A_34 : i32
      %multiple_of3A_36 = tpu.assume_multiple %mul3A_35, 8 : i32
      "tpu.region"() ({
        %run_scoped3A = tpu.sem_alloc : memref<!tpu.dma_semaphore, #tpu.memory_space<semaphore_mem>>
        %dma_start3A = tpu.memref_slice %arg7[%multiple_of3A_36] : memref<64xi32, #tpu.memory_space<hbm>> -> memref<16xi32, #tpu.memory_space<hbm>>
        %dma_start3A_37 = tpu.memref_slice %arg7[%multiple_of3A_36] : memref<64xi32, #tpu.memory_space<hbm>> -> memref<16xi32, #tpu.memory_space<hbm>>
        tpu.enqueue_dma source(%arg13 : memref<16xi32, #tpu.memory_space<vmem>>) target(%dma_start3A_37 : memref<16xi32, #tpu.memory_space<hbm>>) target_semaphore(%run_scoped3A : memref<!tpu.dma_semaphore, #tpu.memory_space<semaphore_mem>>)
        %dma_wait3A = tpu.memref_slice %arg7[%multiple_of3A_36] : memref<64xi32, #tpu.memory_space<hbm>> -> memref<16xi32, #tpu.memory_space<hbm>>
        %dma_wait3A_38 = tpu.memref_slice %arg7[%multiple_of3A_36] : memref<64xi32, #tpu.memory_space<hbm>> -> memref<16xi32, #tpu.memory_space<hbm>>
        tpu.wait_dma2 semaphore(%run_scoped3A : memref<!tpu.dma_semaphore, #tpu.memory_space<semaphore_mem>>) src(%arg13 : memref<16xi32, #tpu.memory_space<vmem>>) dst(%dma_wait3A_38 : memref<16xi32, #tpu.memory_space<hbm>>)
        tpu.yield
      }) : () -> ()
    } else {
    }
    return
  }
}

#map = affine_map<(d0, d1) -> (0)>
module attributes {stable_mosaic.version = 14 : i64} {
  func.func @k4(%arg0: i32, %arg1: i32, %arg2: memref<40960xi32, #tpu.memory_space<hbm>>, %arg3: memref<40960xi32, #tpu.memory_space<hbm>>, %arg4: memref<64xi32, #tpu.memory_space<hbm>>, %arg5: memref<80064xi32, #tpu.memory_space<hbm>>, %arg6: memref<80000xf32, #tpu.memory_space<hbm>>, %arg7: memref<80000xf32, #tpu.memory_space<hbm>>, %arg8: memref<80000xf32, #tpu.memory_space<hbm>>, %arg9: memref<80000xf32, #tpu.memory_space<hbm>>, %arg10: memref<80000xf32, #tpu.memory_space<hbm>>, %arg11: memref<80000xf32, #tpu.memory_space<hbm>>, %arg12: memref<80000xf32, #tpu.memory_space<hbm>>, %arg13: memref<80000xf32, #tpu.memory_space<hbm>>, %arg14: memref<20016xi32, #tpu.memory_space<vmem>>, %arg15: memref<10240xi32, #tpu.memory_space<vmem>>, %arg16: memref<10240xi32, #tpu.memory_space<vmem>>, %arg17: memref<20016xi32, #tpu.memory_space<vmem>>, %arg18: memref<20000xf32, #tpu.memory_space<vmem>>, %arg19: memref<20000xf32, #tpu.memory_space<vmem>>, %arg20: memref<16xi32, #tpu.memory_space<vmem>>) attributes {dimension_semantics = [#tpu.dimension_semantics<core_parallel>, #tpu.dimension_semantics<subcore_parallel>], iteration_bounds = array<i64: 2, 16>, scalar_prefetch = 0 : i64, scratch_operands = 7 : i64, tpu.core_type = #tpu.core_type<sc_vector_subcore>, window_params = [{transform_indices = #map}, {transform_indices = #map}, {transform_indices = #map}, {transform_indices = #map}, {transform_indices = #map}, {transform_indices = #map}, {transform_indices = #map}, {transform_indices = #map}, {transform_indices = #map}, {transform_indices = #map}, {transform_indices = #map}, {transform_indices = #map}]} {
    %mul3A = arith.constant 2 : i32
    %mul3A_0 = arith.muli %arg1, %mul3A : i32
    %add3A = arith.addi %mul3A_0, %arg0 : i32
    %lt3A = arith.constant 4 : i32
    %lt3A_1 = arith.cmpi slt, %add3A, %lt3A : i32
    %convert_element_type3A = arith.extui %lt3A_1 : i1 to i32
    %cond3A = arith.constant 0 : i32
    %cond3A_2 = arith.cmpi ne, %convert_element_type3A, %cond3A : i32
    scf.if %cond3A_2 {
      %iota3A = tpu.iota {dimensions = array<i32: 0>} : vector<16xi32>
      %mul3A_3 = arith.constant 16 : i32
      %mul3A_4 = arith.muli %add3A, %mul3A_3 : i32
      %multiple_of3A = tpu.assume_multiple %mul3A_4, 8 : i32
      "tpu.region"() ({
        %run_scoped3A = tpu.sem_alloc : memref<!tpu.dma_semaphore, #tpu.memory_space<semaphore_mem>>
        %dma_start3A = tpu.memref_slice %arg4[%multiple_of3A] : memref<64xi32, #tpu.memory_space<hbm>> -> memref<16xi32, #tpu.memory_space<hbm>>
        %dma_start3A_123 = tpu.memref_slice %arg4[%multiple_of3A] : memref<64xi32, #tpu.memory_space<hbm>> -> memref<16xi32, #tpu.memory_space<hbm>>
        tpu.enqueue_dma source(%dma_start3A_123 : memref<16xi32, #tpu.memory_space<hbm>>) target(%arg20 : memref<16xi32, #tpu.memory_space<vmem>>) target_semaphore(%run_scoped3A : memref<!tpu.dma_semaphore, #tpu.memory_space<semaphore_mem>>)
        %dma_wait3A = tpu.memref_slice %arg4[%multiple_of3A] : memref<64xi32, #tpu.memory_space<hbm>> -> memref<16xi32, #tpu.memory_space<hbm>>
        %dma_wait3A_124 = tpu.memref_slice %arg4[%multiple_of3A] : memref<64xi32, #tpu.memory_space<hbm>> -> memref<16xi32, #tpu.memory_space<hbm>>
        tpu.wait_dma2 semaphore(%run_scoped3A : memref<!tpu.dma_semaphore, #tpu.memory_space<semaphore_mem>>) src(%dma_wait3A_124 : memref<16xi32, #tpu.memory_space<hbm>>) dst(%arg20 : memref<16xi32, #tpu.memory_space<vmem>>)
        tpu.yield
      }) : () -> ()
      %get3A = arith.constant 0 : index
      %get3A_5 = tpu.vector_load %arg20[%get3A] {strides = array<i32>} : memref<16xi32, #tpu.memory_space<vmem>>, vector<16xi32>,
      %eq3A = arith.constant 0 : i32
      %eq3A_6 = vector.broadcast %eq3A : i32 to vector<16xi32>
      %eq3A_7 = arith.cmpi eq, %iota3A, %eq3A_6 : vector<16xi32>
      %jit3A = arith.constant 0 : i32
      %broadcast_in_dim3A = vector.broadcast %jit3A : i32 to vector<16xi32>
      %select_n3A = arith.select %eq3A_7, %get3A_5, %broadcast_in_dim3A : vector<16xi1>, vector<16xi32>
      %reduce_max3A = arith.constant true
      %reduce_max3A_8 = vector.broadcast %reduce_max3A : i1 to vector<16xi1>
      %reduce_max3A_9 = arith.constant -2147483648 : i32
      %reduce_max3A_10 = vector.broadcast %reduce_max3A_9 : i32 to vector<16xi32>
      %reduce_max3A_11 = arith.xori %select_n3A, %reduce_max3A_10 : vector<16xi32>
      %reduce_max3A_12 = tpu.scan <max>, %reduce_max3A_11 masked %reduce_max3A_8 : vector<16xi32>, vector<16xi1> -> vector<16xi32>
      %reduce_max3A_13 = arith.xori %reduce_max3A_12, %reduce_max3A_10 : vector<16xi32>
      %reduce_max3A_14 = vector.extract %reduce_max3A_13[15] : i32 from vector<16xi32>
      %min3A = arith.constant 10000 : i32
      %min3A_15 = arith.minsi %reduce_max3A_14, %min3A : i32
      %scan3A = arith.constant 0 : i32
      %scan3A_16 = arith.constant 0 : i32
      %scan3A_17 = arith.constant 1251 : i32
      %scan3A_18 = arith.addi %scan3A_16, %scan3A_17 : i32
      %scan3A_19 = arith.constant 1 : i32
      %scan3A_20 = scf.for %scan3A_123 = %scan3A_16 to %scan3A_18 step %scan3A_19 iter_args(%scan3A_124 = %scan3A) -> (i32)  : i32 {
        %broadcast_in_dim3A_125 = arith.constant 0 : i32
        %broadcast_in_dim3A_126 = vector.broadcast %broadcast_in_dim3A_125 : i32 to vector<16xi32>
        %mul3A_127 = arith.constant 16 : i32
        %mul3A_128 = arith.muli %scan3A_123, %mul3A_127 : i32
        %swap3A = arith.index_cast %mul3A_128 : i32 to index
        %swap3A_129 = tpu.vector_load %arg14[%swap3A] {strides = array<i32>} : memref<20016xi32, #tpu.memory_space<vmem>>, vector<16xi32>,
        tpu.vector_store %arg14[%swap3A], %broadcast_in_dim3A_126 {strides = array<i32>} : memref<20016xi32, #tpu.memory_space<vmem>>, vector<16xi32>,
        %scan3A_130 = arith.constant 0 : i32
        scf.yield %scan3A_130 : i32
      }
      %scan3A_21 = arith.constant 1251 : i32
      %mul3A_22 = arith.constant 10240 : i32
      %mul3A_23 = arith.muli %add3A, %mul3A_22 : i32
      %multiple_of3A_24 = tpu.assume_multiple %mul3A_23, 8 : i32
      "tpu.region"() ({
        %run_scoped3A = tpu.sem_alloc : memref<!tpu.dma_semaphore, #tpu.memory_space<semaphore_mem>>
        %dma_start3A = tpu.memref_slice %arg2[%multiple_of3A_24] : memref<40960xi32, #tpu.memory_space<hbm>> -> memref<10240xi32, #tpu.memory_space<hbm>>
        %dma_start3A_123 = tpu.memref_slice %arg2[%multiple_of3A_24] : memref<40960xi32, #tpu.memory_space<hbm>> -> memref<10240xi32, #tpu.memory_space<hbm>>
        tpu.enqueue_dma source(%dma_start3A_123 : memref<10240xi32, #tpu.memory_space<hbm>>) target(%arg16 : memref<10240xi32, #tpu.memory_space<vmem>>) target_semaphore(%run_scoped3A : memref<!tpu.dma_semaphore, #tpu.memory_space<semaphore_mem>>)
        %dma_wait3A = tpu.memref_slice %arg2[%multiple_of3A_24] : memref<40960xi32, #tpu.memory_space<hbm>> -> memref<10240xi32, #tpu.memory_space<hbm>>
        %dma_wait3A_124 = tpu.memref_slice %arg2[%multiple_of3A_24] : memref<40960xi32, #tpu.memory_space<hbm>> -> memref<10240xi32, #tpu.memory_space<hbm>>
        tpu.wait_dma2 semaphore(%run_scoped3A : memref<!tpu.dma_semaphore, #tpu.memory_space<semaphore_mem>>) src(%dma_wait3A_124 : memref<10240xi32, #tpu.memory_space<hbm>>) dst(%arg16 : memref<10240xi32, #tpu.memory_space<vmem>>)
        tpu.yield
      }) : () -> ()
      %mul3A_25 = arith.constant 10240 : i32
      %mul3A_26 = arith.muli %add3A, %mul3A_25 : i32
      %multiple_of3A_27 = tpu.assume_multiple %mul3A_26, 8 : i32
      "tpu.region"() ({
        %run_scoped3A = tpu.sem_alloc : memref<!tpu.dma_semaphore, #tpu.memory_space<semaphore_mem>>
        %dma_start3A = tpu.memref_slice %arg3[%multiple_of3A_27] : memref<40960xi32, #tpu.memory_space<hbm>> -> memref<10240xi32, #tpu.memory_space<hbm>>
        %dma_start3A_123 = tpu.memref_slice %arg3[%multiple_of3A_27] : memref<40960xi32, #tpu.memory_space<hbm>> -> memref<10240xi32, #tpu.memory_space<hbm>>
        tpu.enqueue_dma source(%dma_start3A_123 : memref<10240xi32, #tpu.memory_space<hbm>>) target(%arg15 : memref<10240xi32, #tpu.memory_space<vmem>>) target_semaphore(%run_scoped3A : memref<!tpu.dma_semaphore, #tpu.memory_space<semaphore_mem>>)
        %dma_wait3A = tpu.memref_slice %arg3[%multiple_of3A_27] : memref<40960xi32, #tpu.memory_space<hbm>> -> memref<10240xi32, #tpu.memory_space<hbm>>
        %dma_wait3A_124 = tpu.memref_slice %arg3[%multiple_of3A_27] : memref<40960xi32, #tpu.memory_space<hbm>> -> memref<10240xi32, #tpu.memory_space<hbm>>
        tpu.wait_dma2 semaphore(%run_scoped3A : memref<!tpu.dma_semaphore, #tpu.memory_space<semaphore_mem>>) src(%dma_wait3A_124 : memref<10240xi32, #tpu.memory_space<hbm>>) dst(%arg15 : memref<10240xi32, #tpu.memory_space<vmem>>)
        tpu.yield
      }) : () -> ()
      %mul3A_28 = arith.constant 20016 : i32
      %mul3A_29 = arith.muli %add3A, %mul3A_28 : i32
      %multiple_of3A_30 = tpu.assume_multiple %mul3A_29, 8 : i32
      "tpu.region"() ({
        %run_scoped3A = tpu.sem_alloc : memref<!tpu.dma_semaphore, #tpu.memory_space<semaphore_mem>>
        %dma_start3A = tpu.memref_slice %arg5[%multiple_of3A_30] : memref<80064xi32, #tpu.memory_space<hbm>> -> memref<20016xi32, #tpu.memory_space<hbm>>
        %dma_start3A_123 = tpu.memref_slice %arg5[%multiple_of3A_30] : memref<80064xi32, #tpu.memory_space<hbm>> -> memref<20016xi32, #tpu.memory_space<hbm>>
        tpu.enqueue_dma source(%dma_start3A_123 : memref<20016xi32, #tpu.memory_space<hbm>>) target(%arg17 : memref<20016xi32, #tpu.memory_space<vmem>>) target_semaphore(%run_scoped3A : memref<!tpu.dma_semaphore, #tpu.memory_space<semaphore_mem>>)
        %dma_wait3A = tpu.memref_slice %arg5[%multiple_of3A_30] : memref<80064xi32, #tpu.memory_space<hbm>> -> memref<20016xi32, #tpu.memory_space<hbm>>
        %dma_wait3A_124 = tpu.memref_slice %arg5[%multiple_of3A_30] : memref<80064xi32, #tpu.memory_space<hbm>> -> memref<20016xi32, #tpu.memory_space<hbm>>
        tpu.wait_dma2 semaphore(%run_scoped3A : memref<!tpu.dma_semaphore, #tpu.memory_space<semaphore_mem>>) src(%dma_wait3A_124 : memref<20016xi32, #tpu.memory_space<hbm>>) dst(%arg17 : memref<20016xi32, #tpu.memory_space<vmem>>)
        tpu.yield
      }) : () -> ()
      %scan3A_31 = arith.constant 0 : i32
      %scan3A_32 = arith.constant 0 : i32
      %scan3A_33 = arith.constant 640 : i32
      %scan3A_34 = arith.addi %scan3A_32, %scan3A_33 : i32
      %scan3A_35 = arith.constant 1 : i32
      %scan3A_36 = scf.for %scan3A_123 = %scan3A_32 to %scan3A_34 step %scan3A_35 iter_args(%scan3A_124 = %scan3A_31) -> (i32)  : i32 {
        %mul3A_125 = arith.constant 16 : i32
        %mul3A_126 = arith.muli %scan3A_123, %mul3A_125 : i32
        %get3A_127 = arith.index_cast %mul3A_126 : i32 to index
        %get3A_128 = tpu.vector_load %arg15[%get3A_127] {strides = array<i32>} : memref<10240xi32, #tpu.memory_space<vmem>>, vector<16xi32>,
        %get3A_129 = arith.index_cast %mul3A_126 : i32 to index
        %get3A_130 = tpu.vector_load %arg16[%get3A_129] {strides = array<i32>} : memref<10240xi32, #tpu.memory_space<vmem>>, vector<16xi32>,
        %add3A_131 = vector.broadcast %mul3A_126 : i32 to vector<16xi32>
        %add3A_132 = arith.addi %add3A_131, %iota3A : vector<16xi32>
        %lt3A_133 = vector.broadcast %reduce_max3A_14 : i32 to vector<16xi32>
        %lt3A_134 = arith.cmpi slt, %add3A_132, %lt3A_133 : vector<16xi32>
        %lt3A_135 = arith.constant 10000 : i32
        %lt3A_136 = vector.broadcast %lt3A_135 : i32 to vector<16xi32>
        %lt3A_137 = arith.cmpi slt, %get3A_128, %lt3A_136 : vector<16xi32>
        %and3A_138 = arith.andi %lt3A_134, %lt3A_137 : vector<16xi1>
        tpu.vector_store_idx %arg14[%get3A_128], %get3A_130 masked %and3A_138 : memref<20016xi32, #tpu.memory_space<vmem>>[vector<16xi32>], vector<16xi32>, vector<16xi1>
        %scan3A_139 = arith.constant 0 : i32
        scf.yield %scan3A_139 : i32
      }
      %scan3A_37 = arith.constant 640 : i32
      %sub3A = arith.constant 20000 : i32
      %sub3A_38 = arith.subi %sub3A, %min3A_15 : i32
      %add3A_39 = arith.constant 15 : i32
      %add3A_40 = arith.addi %sub3A_38, %add3A_39 : i32
      %jit3A_41 = arith.constant 16 : i32
      %div3A = arith.divsi %add3A_40, %jit3A_41 : i32
      %sign3A = arith.constant 0 : i32
      %sign3A_42 = arith.cmpi sgt, %add3A_40, %sign3A : i32
      %sign3A_43 = arith.extui %sign3A_42 : i1 to i32
      %sign3A_44 = arith.constant 0 : i32
      %sign3A_45 = arith.cmpi slt, %add3A_40, %sign3A_44 : i32
      %sign3A_46 = arith.extui %sign3A_45 : i1 to i32
      %sign3A_47 = arith.subi %sign3A_43, %sign3A_46 : i32
      %sign3A_48 = arith.constant 0 : i32
      %sign3A_49 = arith.cmpi sgt, %jit3A_41, %sign3A_48 : i32
      %sign3A_50 = arith.extui %sign3A_49 : i1 to i32
      %sign3A_51 = arith.constant 0 : i32
      %sign3A_52 = arith.cmpi slt, %jit3A_41, %sign3A_51 : i32
      %sign3A_53 = arith.extui %sign3A_52 : i1 to i32
      %sign3A_54 = arith.subi %sign3A_50, %sign3A_53 : i32
      %ne3A = arith.cmpi ne, %sign3A_47, %sign3A_54 : i32
      %rem3A = arith.remsi %add3A_40, %jit3A_41 : i32
      %ne3A_55 = arith.constant 0 : i32
      %ne3A_56 = arith.cmpi ne, %rem3A, %ne3A_55 : i32
      %and3A = arith.andi %ne3A, %ne3A_56 : i1
      %sub3A_57 = arith.constant 1 : i32
      %sub3A_58 = arith.subi %div3A, %sub3A_57 : i32
      %select_n3A_59 = arith.select %and3A, %sub3A_58, %div3A : i32
      %while3A = arith.constant 0 : i32
      %while3A_60 = arith.constant 0 : i32
      %while3A_61 = arith.subi %select_n3A_59, %while3A : i32
      %while3A_62 = arith.addi %while3A, %while3A_61 : i32
      %while3A_63 = arith.constant 1 : i32
      %while3A_64 = arith.divsi %while3A_61, %while3A_63 : i32
      %while3A_65 = arith.muli %while3A_64, %while3A_63 : i32
      %while3A_66 = arith.addi %while3A, %while3A_65 : i32
      %while3A_67 = arith.constant 1 : i32
      %while3A_68 = scf.for %while3A_123 = %while3A to %while3A_66 step %while3A_67 iter_args(%while3A_124 = %while3A_60) -> (i32)  : i32 {
        %mul3A_125 = arith.constant 16 : i32
        %mul3A_126 = arith.muli %while3A_123, %mul3A_125 : i32
        %get3A_127 = arith.index_cast %mul3A_126 : i32 to index
        %get3A_128 = tpu.vector_load %arg17[%get3A_127] {strides = array<i32>} : memref<20016xi32, #tpu.memory_space<vmem>>, vector<16xi32>,
        %mul3A_129 = arith.constant 16 : i32
        %mul3A_130 = arith.muli %while3A_123, %mul3A_129 : i32
        %add3A_131 = arith.addi %min3A_15, %mul3A_130 : i32
        %swap3A = arith.index_cast %add3A_131 : i32 to index
        %swap3A_132 = tpu.vector_load %arg14[%swap3A] {strides = array<i32>} : memref<20016xi32, #tpu.memory_space<vmem>>, vector<16xi32>,
        tpu.vector_store %arg14[%swap3A], %get3A_128 {strides = array<i32>} : memref<20016xi32, #tpu.memory_space<vmem>>, vector<16xi32>,
        %while3A_133 = arith.constant 0 : i32
        scf.yield %while3A_133 : i32
      }
      %while3A_69 = arith.constant 1 : i32
      %while3A_70 = scf.for %while3A_123 = %while3A_66 to %while3A_62 step %while3A_69 iter_args(%while3A_124 = %while3A_68) -> (i32)  : i32 {
        %mul3A_125 = arith.constant 16 : i32
        %mul3A_126 = arith.muli %while3A_123, %mul3A_125 : i32
        %get3A_127 = arith.index_cast %mul3A_126 : i32 to index
        %get3A_128 = tpu.vector_load %arg17[%get3A_127] {strides = array<i32>} : memref<20016xi32, #tpu.memory_space<vmem>>, vector<16xi32>,
        %mul3A_129 = arith.constant 16 : i32
        %mul3A_130 = arith.muli %while3A_123, %mul3A_129 : i32
        %add3A_131 = arith.addi %min3A_15, %mul3A_130 : i32
        %swap3A = arith.index_cast %add3A_131 : i32 to index
        %swap3A_132 = tpu.vector_load %arg14[%swap3A] {strides = array<i32>} : memref<20016xi32, #tpu.memory_space<vmem>>, vector<16xi32>,
        tpu.vector_store %arg14[%swap3A], %get3A_128 {strides = array<i32>} : memref<20016xi32, #tpu.memory_space<vmem>>, vector<16xi32>,
        %while3A_133 = arith.constant 0 : i32
        scf.yield %while3A_133 : i32
      }
      %mul3A_71 = arith.constant 20000 : i32
      %mul3A_72 = arith.muli %add3A, %mul3A_71 : i32
      %multiple_of3A_73 = tpu.assume_multiple %mul3A_72, 8 : i32
      "tpu.region"() ({
        %run_scoped3A = tpu.sem_alloc : memref<!tpu.dma_semaphore, #tpu.memory_space<semaphore_mem>>
        %dma_start3A = tpu.memref_slice %arg6[%multiple_of3A_73] : memref<80000xf32, #tpu.memory_space<hbm>> -> memref<20000xf32, #tpu.memory_space<hbm>>
        %dma_start3A_123 = tpu.memref_slice %arg6[%multiple_of3A_73] : memref<80000xf32, #tpu.memory_space<hbm>> -> memref<20000xf32, #tpu.memory_space<hbm>>
        tpu.enqueue_dma source(%dma_start3A_123 : memref<20000xf32, #tpu.memory_space<hbm>>) target(%arg18 : memref<20000xf32, #tpu.memory_space<vmem>>) target_semaphore(%run_scoped3A : memref<!tpu.dma_semaphore, #tpu.memory_space<semaphore_mem>>)
        %dma_wait3A = tpu.memref_slice %arg6[%multiple_of3A_73] : memref<80000xf32, #tpu.memory_space<hbm>> -> memref<20000xf32, #tpu.memory_space<hbm>>
        %dma_wait3A_124 = tpu.memref_slice %arg6[%multiple_of3A_73] : memref<80000xf32, #tpu.memory_space<hbm>> -> memref<20000xf32, #tpu.memory_space<hbm>>
        tpu.wait_dma2 semaphore(%run_scoped3A : memref<!tpu.dma_semaphore, #tpu.memory_space<semaphore_mem>>) src(%dma_wait3A_124 : memref<20000xf32, #tpu.memory_space<hbm>>) dst(%arg18 : memref<20000xf32, #tpu.memory_space<vmem>>)
        tpu.yield
      }) : () -> ()
      %scan3A_74 = arith.constant 0 : i32
      %scan3A_75 = arith.constant 0 : i32
      %scan3A_76 = arith.constant 1250 : i32
      %scan3A_77 = arith.addi %scan3A_75, %scan3A_76 : i32
      %scan3A_78 = arith.constant 1 : i32
      %scan3A_79 = scf.for %scan3A_123 = %scan3A_75 to %scan3A_77 step %scan3A_78 iter_args(%scan3A_124 = %scan3A_74) -> (i32)  : i32 {
        %mul3A_125 = arith.constant 16 : i32
        %mul3A_126 = arith.muli %scan3A_123, %mul3A_125 : i32
        %get3A_127 = arith.index_cast %mul3A_126 : i32 to index
        %get3A_128 = tpu.vector_load %arg14[%get3A_127] {strides = array<i32>} : memref<20016xi32, #tpu.memory_space<vmem>>, vector<16xi32>,
        %shift_right_logical3A = arith.constant 4 : i32
        %shift_right_logical3A_129 = vector.broadcast %shift_right_logical3A : i32 to vector<16xi32>
        %shift_right_logical3A_130 = arith.shrui %get3A_128, %shift_right_logical3A_129 : vector<16xi32>
        %gather3A = tpu.vector_load_idx %arg18[%shift_right_logical3A_130] : memref<20000xf32, #tpu.memory_space<vmem>>[vector<16xi32>], vector<16xf32>,
        %mul3A_131 = arith.constant 16 : i32
        %mul3A_132 = arith.muli %scan3A_123, %mul3A_131 : i32
        %swap3A = arith.index_cast %mul3A_132 : i32 to index
        %swap3A_133 = tpu.vector_load %arg19[%swap3A] {strides = array<i32>} : memref<20000xf32, #tpu.memory_space<vmem>>, vector<16xf32>,
        tpu.vector_store %arg19[%swap3A], %gather3A {strides = array<i32>} : memref<20000xf32, #tpu.memory_space<vmem>>, vector<16xf32>,
        %scan3A_134 = arith.constant 0 : i32
        scf.yield %scan3A_134 : i32
      }
      %scan3A_80 = arith.constant 1250 : i32
      %mul3A_81 = arith.constant 20000 : i32
      %mul3A_82 = arith.muli %add3A, %mul3A_81 : i32
      %multiple_of3A_83 = tpu.assume_multiple %mul3A_82, 8 : i32
      "tpu.region"() ({
        %run_scoped3A = tpu.sem_alloc : memref<!tpu.dma_semaphore, #tpu.memory_space<semaphore_mem>>
        %dma_start3A = tpu.memref_slice %arg10[%multiple_of3A_83] : memref<80000xf32, #tpu.memory_space<hbm>> -> memref<20000xf32, #tpu.memory_space<hbm>>
        %dma_start3A_123 = tpu.memref_slice %arg10[%multiple_of3A_83] : memref<80000xf32, #tpu.memory_space<hbm>> -> memref<20000xf32, #tpu.memory_space<hbm>>
        tpu.enqueue_dma source(%arg19 : memref<20000xf32, #tpu.memory_space<vmem>>) target(%dma_start3A_123 : memref<20000xf32, #tpu.memory_space<hbm>>) target_semaphore(%run_scoped3A : memref<!tpu.dma_semaphore, #tpu.memory_space<semaphore_mem>>)
        %dma_wait3A = tpu.memref_slice %arg10[%multiple_of3A_83] : memref<80000xf32, #tpu.memory_space<hbm>> -> memref<20000xf32, #tpu.memory_space<hbm>>
        %dma_wait3A_124 = tpu.memref_slice %arg10[%multiple_of3A_83] : memref<80000xf32, #tpu.memory_space<hbm>> -> memref<20000xf32, #tpu.memory_space<hbm>>
        tpu.wait_dma2 semaphore(%run_scoped3A : memref<!tpu.dma_semaphore, #tpu.memory_space<semaphore_mem>>) src(%arg19 : memref<20000xf32, #tpu.memory_space<vmem>>) dst(%dma_wait3A_124 : memref<20000xf32, #tpu.memory_space<hbm>>)
        tpu.yield
      }) : () -> ()
      %mul3A_84 = arith.constant 20000 : i32
      %mul3A_85 = arith.muli %add3A, %mul3A_84 : i32
      %multiple_of3A_86 = tpu.assume_multiple %mul3A_85, 8 : i32
      "tpu.region"() ({
        %run_scoped3A = tpu.sem_alloc : memref<!tpu.dma_semaphore, #tpu.memory_space<semaphore_mem>>
        %dma_start3A = tpu.memref_slice %arg7[%multiple_of3A_86] : memref<80000xf32, #tpu.memory_space<hbm>> -> memref<20000xf32, #tpu.memory_space<hbm>>
        %dma_start3A_123 = tpu.memref_slice %arg7[%multiple_of3A_86] : memref<80000xf32, #tpu.memory_space<hbm>> -> memref<20000xf32, #tpu.memory_space<hbm>>
        tpu.enqueue_dma source(%dma_start3A_123 : memref<20000xf32, #tpu.memory_space<hbm>>) target(%arg18 : memref<20000xf32, #tpu.memory_space<vmem>>) target_semaphore(%run_scoped3A : memref<!tpu.dma_semaphore, #tpu.memory_space<semaphore_mem>>)
        %dma_wait3A = tpu.memref_slice %arg7[%multiple_of3A_86] : memref<80000xf32, #tpu.memory_space<hbm>> -> memref<20000xf32, #tpu.memory_space<hbm>>
        %dma_wait3A_124 = tpu.memref_slice %arg7[%multiple_of3A_86] : memref<80000xf32, #tpu.memory_space<hbm>> -> memref<20000xf32, #tpu.memory_space<hbm>>
        tpu.wait_dma2 semaphore(%run_scoped3A : memref<!tpu.dma_semaphore, #tpu.memory_space<semaphore_mem>>) src(%dma_wait3A_124 : memref<20000xf32, #tpu.memory_space<hbm>>) dst(%arg18 : memref<20000xf32, #tpu.memory_space<vmem>>)
        tpu.yield
      }) : () -> ()
      %scan3A_87 = arith.constant 0 : i32
      %scan3A_88 = arith.constant 0 : i32
      %scan3A_89 = arith.constant 1250 : i32
      %scan3A_90 = arith.addi %scan3A_88, %scan3A_89 : i32
      %scan3A_91 = arith.constant 1 : i32
      %scan3A_92 = scf.for %scan3A_123 = %scan3A_88 to %scan3A_90 step %scan3A_91 iter_args(%scan3A_124 = %scan3A_87) -> (i32)  : i32 {
        %mul3A_125 = arith.constant 16 : i32
        %mul3A_126 = arith.muli %scan3A_123, %mul3A_125 : i32
        %get3A_127 = arith.index_cast %mul3A_126 : i32 to index
        %get3A_128 = tpu.vector_load %arg14[%get3A_127] {strides = array<i32>} : memref<20016xi32, #tpu.memory_space<vmem>>, vector<16xi32>,
        %shift_right_logical3A = arith.constant 4 : i32
        %shift_right_logical3A_129 = vector.broadcast %shift_right_logical3A : i32 to vector<16xi32>
        %shift_right_logical3A_130 = arith.shrui %get3A_128, %shift_right_logical3A_129 : vector<16xi32>
        %gather3A = tpu.vector_load_idx %arg18[%shift_right_logical3A_130] : memref<20000xf32, #tpu.memory_space<vmem>>[vector<16xi32>], vector<16xf32>,
        %mul3A_131 = arith.constant 16 : i32
        %mul3A_132 = arith.muli %scan3A_123, %mul3A_131 : i32
        %swap3A = arith.index_cast %mul3A_132 : i32 to index
        %swap3A_133 = tpu.vector_load %arg19[%swap3A] {strides = array<i32>} : memref<20000xf32, #tpu.memory_space<vmem>>, vector<16xf32>,
        tpu.vector_store %arg19[%swap3A], %gather3A {strides = array<i32>} : memref<20000xf32, #tpu.memory_space<vmem>>, vector<16xf32>,
        %scan3A_134 = arith.constant 0 : i32
        scf.yield %scan3A_134 : i32
      }
      %scan3A_93 = arith.constant 1250 : i32
      %mul3A_94 = arith.constant 20000 : i32
      %mul3A_95 = arith.muli %add3A, %mul3A_94 : i32
      %multiple_of3A_96 = tpu.assume_multiple %mul3A_95, 8 : i32
      "tpu.region"() ({
        %run_scoped3A = tpu.sem_alloc : memref<!tpu.dma_semaphore, #tpu.memory_space<semaphore_mem>>
        %dma_start3A = tpu.memref_slice %arg11[%multiple_of3A_96] : memref<80000xf32, #tpu.memory_space<hbm>> -> memref<20000xf32, #tpu.memory_space<hbm>>
        %dma_start3A_123 = tpu.memref_slice %arg11[%multiple_of3A_96] : memref<80000xf32, #tpu.memory_space<hbm>> -> memref<20000xf32, #tpu.memory_space<hbm>>
        tpu.enqueue_dma source(%arg19 : memref<20000xf32, #tpu.memory_space<vmem>>) target(%dma_start3A_123 : memref<20000xf32, #tpu.memory_space<hbm>>) target_semaphore(%run_scoped3A : memref<!tpu.dma_semaphore, #tpu.memory_space<semaphore_mem>>)
        %dma_wait3A = tpu.memref_slice %arg11[%multiple_of3A_96] : memref<80000xf32, #tpu.memory_space<hbm>> -> memref<20000xf32, #tpu.memory_space<hbm>>
        %dma_wait3A_124 = tpu.memref_slice %arg11[%multiple_of3A_96] : memref<80000xf32, #tpu.memory_space<hbm>> -> memref<20000xf32, #tpu.memory_space<hbm>>
        tpu.wait_dma2 semaphore(%run_scoped3A : memref<!tpu.dma_semaphore, #tpu.memory_space<semaphore_mem>>) src(%arg19 : memref<20000xf32, #tpu.memory_space<vmem>>) dst(%dma_wait3A_124 : memref<20000xf32, #tpu.memory_space<hbm>>)
        tpu.yield
      }) : () -> ()
      %mul3A_97 = arith.constant 20000 : i32
      %mul3A_98 = arith.muli %add3A, %mul3A_97 : i32
      %multiple_of3A_99 = tpu.assume_multiple %mul3A_98, 8 : i32
      "tpu.region"() ({
        %run_scoped3A = tpu.sem_alloc : memref<!tpu.dma_semaphore, #tpu.memory_space<semaphore_mem>>
        %dma_start3A = tpu.memref_slice %arg8[%multiple_of3A_99] : memref<80000xf32, #tpu.memory_space<hbm>> -> memref<20000xf32, #tpu.memory_space<hbm>>
        %dma_start3A_123 = tpu.memref_slice %arg8[%multiple_of3A_99] : memref<80000xf32, #tpu.memory_space<hbm>> -> memref<20000xf32, #tpu.memory_space<hbm>>
        tpu.enqueue_dma source(%dma_start3A_123 : memref<20000xf32, #tpu.memory_space<hbm>>) target(%arg18 : memref<20000xf32, #tpu.memory_space<vmem>>) target_semaphore(%run_scoped3A : memref<!tpu.dma_semaphore, #tpu.memory_space<semaphore_mem>>)
        %dma_wait3A = tpu.memref_slice %arg8[%multiple_of3A_99] : memref<80000xf32, #tpu.memory_space<hbm>> -> memref<20000xf32, #tpu.memory_space<hbm>>
        %dma_wait3A_124 = tpu.memref_slice %arg8[%multiple_of3A_99] : memref<80000xf32, #tpu.memory_space<hbm>> -> memref<20000xf32, #tpu.memory_space<hbm>>
        tpu.wait_dma2 semaphore(%run_scoped3A : memref<!tpu.dma_semaphore, #tpu.memory_space<semaphore_mem>>) src(%dma_wait3A_124 : memref<20000xf32, #tpu.memory_space<hbm>>) dst(%arg18 : memref<20000xf32, #tpu.memory_space<vmem>>)
        tpu.yield
      }) : () -> ()
      %scan3A_100 = arith.constant 0 : i32
      %scan3A_101 = arith.constant 0 : i32
      %scan3A_102 = arith.constant 1250 : i32
      %scan3A_103 = arith.addi %scan3A_101, %scan3A_102 : i32
      %scan3A_104 = arith.constant 1 : i32
      %scan3A_105 = scf.for %scan3A_123 = %scan3A_101 to %scan3A_103 step %scan3A_104 iter_args(%scan3A_124 = %scan3A_100) -> (i32)  : i32 {
        %mul3A_125 = arith.constant 16 : i32
        %mul3A_126 = arith.muli %scan3A_123, %mul3A_125 : i32
        %get3A_127 = arith.index_cast %mul3A_126 : i32 to index
        %get3A_128 = tpu.vector_load %arg14[%get3A_127] {strides = array<i32>} : memref<20016xi32, #tpu.memory_space<vmem>>, vector<16xi32>,
        %shift_right_logical3A = arith.constant 4 : i32
        %shift_right_logical3A_129 = vector.broadcast %shift_right_logical3A : i32 to vector<16xi32>
        %shift_right_logical3A_130 = arith.shrui %get3A_128, %shift_right_logical3A_129 : vector<16xi32>
        %gather3A = tpu.vector_load_idx %arg18[%shift_right_logical3A_130] : memref<20000xf32, #tpu.memory_space<vmem>>[vector<16xi32>], vector<16xf32>,
        %mul3A_131 = arith.constant 16 : i32
        %mul3A_132 = arith.muli %scan3A_123, %mul3A_131 : i32
        %swap3A = arith.index_cast %mul3A_132 : i32 to index
        %swap3A_133 = tpu.vector_load %arg19[%swap3A] {strides = array<i32>} : memref<20000xf32, #tpu.memory_space<vmem>>, vector<16xf32>,
        tpu.vector_store %arg19[%swap3A], %gather3A {strides = array<i32>} : memref<20000xf32, #tpu.memory_space<vmem>>, vector<16xf32>,
        %scan3A_134 = arith.constant 0 : i32
        scf.yield %scan3A_134 : i32
      }
      %scan3A_106 = arith.constant 1250 : i32
      %mul3A_107 = arith.constant 20000 : i32
      %mul3A_108 = arith.muli %add3A, %mul3A_107 : i32
      %multiple_of3A_109 = tpu.assume_multiple %mul3A_108, 8 : i32
      "tpu.region"() ({
        %run_scoped3A = tpu.sem_alloc : memref<!tpu.dma_semaphore, #tpu.memory_space<semaphore_mem>>
        %dma_start3A = tpu.memref_slice %arg12[%multiple_of3A_109] : memref<80000xf32, #tpu.memory_space<hbm>> -> memref<20000xf32, #tpu.memory_space<hbm>>
        %dma_start3A_123 = tpu.memref_slice %arg12[%multiple_of3A_109] : memref<80000xf32, #tpu.memory_space<hbm>> -> memref<20000xf32, #tpu.memory_space<hbm>>
        tpu.enqueue_dma source(%arg19 : memref<20000xf32, #tpu.memory_space<vmem>>) target(%dma_start3A_123 : memref<20000xf32, #tpu.memory_space<hbm>>) target_semaphore(%run_scoped3A : memref<!tpu.dma_semaphore, #tpu.memory_space<semaphore_mem>>)
        %dma_wait3A = tpu.memref_slice %arg12[%multiple_of3A_109] : memref<80000xf32, #tpu.memory_space<hbm>> -> memref<20000xf32, #tpu.memory_space<hbm>>
        %dma_wait3A_124 = tpu.memref_slice %arg12[%multiple_of3A_109] : memref<80000xf32, #tpu.memory_space<hbm>> -> memref<20000xf32, #tpu.memory_space<hbm>>
        tpu.wait_dma2 semaphore(%run_scoped3A : memref<!tpu.dma_semaphore, #tpu.memory_space<semaphore_mem>>) src(%arg19 : memref<20000xf32, #tpu.memory_space<vmem>>) dst(%dma_wait3A_124 : memref<20000xf32, #tpu.memory_space<hbm>>)
        tpu.yield
      }) : () -> ()
      %mul3A_110 = arith.constant 20000 : i32
      %mul3A_111 = arith.muli %add3A, %mul3A_110 : i32
      %multiple_of3A_112 = tpu.assume_multiple %mul3A_111, 8 : i32
      "tpu.region"() ({
        %run_scoped3A = tpu.sem_alloc : memref<!tpu.dma_semaphore, #tpu.memory_space<semaphore_mem>>
        %dma_start3A = tpu.memref_slice %arg9[%multiple_of3A_112] : memref<80000xf32, #tpu.memory_space<hbm>> -> memref<20000xf32, #tpu.memory_space<hbm>>
        %dma_start3A_123 = tpu.memref_slice %arg9[%multiple_of3A_112] : memref<80000xf32, #tpu.memory_space<hbm>> -> memref<20000xf32, #tpu.memory_space<hbm>>
        tpu.enqueue_dma source(%dma_start3A_123 : memref<20000xf32, #tpu.memory_space<hbm>>) target(%arg18 : memref<20000xf32, #tpu.memory_space<vmem>>) target_semaphore(%run_scoped3A : memref<!tpu.dma_semaphore, #tpu.memory_space<semaphore_mem>>)
        %dma_wait3A = tpu.memref_slice %arg9[%multiple_of3A_112] : memref<80000xf32, #tpu.memory_space<hbm>> -> memref<20000xf32, #tpu.memory_space<hbm>>
        %dma_wait3A_124 = tpu.memref_slice %arg9[%multiple_of3A_112] : memref<80000xf32, #tpu.memory_space<hbm>> -> memref<20000xf32, #tpu.memory_space<hbm>>
        tpu.wait_dma2 semaphore(%run_scoped3A : memref<!tpu.dma_semaphore, #tpu.memory_space<semaphore_mem>>) src(%dma_wait3A_124 : memref<20000xf32, #tpu.memory_space<hbm>>) dst(%arg18 : memref<20000xf32, #tpu.memory_space<vmem>>)
        tpu.yield
      }) : () -> ()
      %scan3A_113 = arith.constant 0 : i32
      %scan3A_114 = arith.constant 0 : i32
      %scan3A_115 = arith.constant 1250 : i32
      %scan3A_116 = arith.addi %scan3A_114, %scan3A_115 : i32
      %scan3A_117 = arith.constant 1 : i32
      %scan3A_118 = scf.for %scan3A_123 = %scan3A_114 to %scan3A_116 step %scan3A_117 iter_args(%scan3A_124 = %scan3A_113) -> (i32)  : i32 {
        %mul3A_125 = arith.constant 16 : i32
        %mul3A_126 = arith.muli %scan3A_123, %mul3A_125 : i32
        %get3A_127 = arith.index_cast %mul3A_126 : i32 to index
        %get3A_128 = tpu.vector_load %arg14[%get3A_127] {strides = array<i32>} : memref<20016xi32, #tpu.memory_space<vmem>>, vector<16xi32>,
        %shift_right_logical3A = arith.constant 4 : i32
        %shift_right_logical3A_129 = vector.broadcast %shift_right_logical3A : i32 to vector<16xi32>
        %shift_right_logical3A_130 = arith.shrui %get3A_128, %shift_right_logical3A_129 : vector<16xi32>
        %gather3A = tpu.vector_load_idx %arg18[%shift_right_logical3A_130] : memref<20000xf32, #tpu.memory_space<vmem>>[vector<16xi32>], vector<16xf32>,
        %mul3A_131 = arith.constant 16 : i32
        %mul3A_132 = arith.muli %scan3A_123, %mul3A_131 : i32
        %swap3A = arith.index_cast %mul3A_132 : i32 to index
        %swap3A_133 = tpu.vector_load %arg19[%swap3A] {strides = array<i32>} : memref<20000xf32, #tpu.memory_space<vmem>>, vector<16xf32>,
        tpu.vector_store %arg19[%swap3A], %gather3A {strides = array<i32>} : memref<20000xf32, #tpu.memory_space<vmem>>, vector<16xf32>,
        %scan3A_134 = arith.constant 0 : i32
        scf.yield %scan3A_134 : i32
      }
      %scan3A_119 = arith.constant 1250 : i32
      %mul3A_120 = arith.constant 20000 : i32
      %mul3A_121 = arith.muli %add3A, %mul3A_120 : i32
      %multiple_of3A_122 = tpu.assume_multiple %mul3A_121, 8 : i32
      "tpu.region"() ({
        %run_scoped3A = tpu.sem_alloc : memref<!tpu.dma_semaphore, #tpu.memory_space<semaphore_mem>>
        %dma_start3A = tpu.memref_slice %arg13[%multiple_of3A_122] : memref<80000xf32, #tpu.memory_space<hbm>> -> memref<20000xf32, #tpu.memory_space<hbm>>
        %dma_start3A_123 = tpu.memref_slice %arg13[%multiple_of3A_122] : memref<80000xf32, #tpu.memory_space<hbm>> -> memref<20000xf32, #tpu.memory_space<hbm>>
        tpu.enqueue_dma source(%arg19 : memref<20000xf32, #tpu.memory_space<vmem>>) target(%dma_start3A_123 : memref<20000xf32, #tpu.memory_space<hbm>>) target_semaphore(%run_scoped3A : memref<!tpu.dma_semaphore, #tpu.memory_space<semaphore_mem>>)
        %dma_wait3A = tpu.memref_slice %arg13[%multiple_of3A_122] : memref<80000xf32, #tpu.memory_space<hbm>> -> memref<20000xf32, #tpu.memory_space<hbm>>
        %dma_wait3A_124 = tpu.memref_slice %arg13[%multiple_of3A_122] : memref<80000xf32, #tpu.memory_space<hbm>> -> memref<20000xf32, #tpu.memory_space<hbm>>
        tpu.wait_dma2 semaphore(%run_scoped3A : memref<!tpu.dma_semaphore, #tpu.memory_space<semaphore_mem>>) src(%arg19 : memref<20000xf32, #tpu.memory_space<vmem>>) dst(%dma_wait3A_124 : memref<20000xf32, #tpu.memory_space<hbm>>)
        tpu.yield
      }) : () -> ()
    } else {
    }
    return
  }
}

module attributes {stable_mosaic.version = 14 : i64} {
  func.func @_iou_code_body(%arg0: i32, %arg1: memref<1x1x20000xf32, #tpu.memory_space<vmem>>, %arg2: memref<1x1x20000xf32, #tpu.memory_space<vmem>>, %arg3: memref<1x1x20000xf32, #tpu.memory_space<vmem>>, %arg4: memref<1x1x20000xf32, #tpu.memory_space<vmem>>, %arg5: memref<1x16x1xf32, #tpu.memory_space<vmem>>, %arg6: memref<1x16x1xf32, #tpu.memory_space<vmem>>, %arg7: memref<1x16x1xf32, #tpu.memory_space<vmem>>, %arg8: memref<1x16x1xf32, #tpu.memory_space<vmem>>, %arg9: memref<1x16x20000xf32, #tpu.memory_space<vmem>>, %arg10: memref<1x16x20000xi32, #tpu.memory_space<vmem>>) attributes {dimension_semantics = [#tpu.dimension_semantics<arbitrary>], iteration_bounds = array<i64: 4>, scalar_prefetch = 0 : i64, scratch_operands = 0 : i64, tpu.core_type = #tpu.core_type<tc>, window_params = [{transform_indices = @transform_0, window_bounds = array<i64: 1, 1, 20000>}, {transform_indices = @transform_1, window_bounds = array<i64: 1, 1, 20000>}, {transform_indices = @transform_2, window_bounds = array<i64: 1, 1, 20000>}, {transform_indices = @transform_3, window_bounds = array<i64: 1, 1, 20000>}, {transform_indices = @transform_4, window_bounds = array<i64: 1, 16, 1>}, {transform_indices = @transform_5, window_bounds = array<i64: 1, 16, 1>}, {transform_indices = @transform_6, window_bounds = array<i64: 1, 16, 1>}, {transform_indices = @transform_7, window_bounds = array<i64: 1, 16, 1>}, {transform_indices = @transform_8, window_bounds = array<i64: 1, 16, 20000>}, {transform_indices = @transform_9, window_bounds = array<i64: 1, 16, 20000>}]} {
    %get3A = arith.constant 0 : index
    %get3A_0 = arith.constant 0 : index
    %get3A_1 = arith.constant 0 : index
    %get3A_2 = vector.load %arg1[%get3A, %get3A_0, %get3A_1] : memref<1x1x20000xf32, #tpu.memory_space<vmem>>, vector<1x1x20000xf32>
    %get3A_3 = vector.shape_cast %get3A_2 : vector<1x1x20000xf32> to vector<1x20000xf32>
    %get3A_4 = arith.constant 0 : index
    %get3A_5 = arith.constant 0 : index
    %get3A_6 = arith.constant 0 : index
    %get3A_7 = vector.load %arg2[%get3A_4, %get3A_5, %get3A_6] : memref<1x1x20000xf32, #tpu.memory_space<vmem>>, vector<1x1x20000xf32>
    %get3A_8 = vector.shape_cast %get3A_7 : vector<1x1x20000xf32> to vector<1x20000xf32>
    %get3A_9 = arith.constant 0 : index
    %get3A_10 = arith.constant 0 : index
    %get3A_11 = arith.constant 0 : index
    %get3A_12 = vector.load %arg3[%get3A_9, %get3A_10, %get3A_11] : memref<1x1x20000xf32, #tpu.memory_space<vmem>>, vector<1x1x20000xf32>
    %get3A_13 = vector.shape_cast %get3A_12 : vector<1x1x20000xf32> to vector<1x20000xf32>
    %get3A_14 = arith.constant 0 : index
    %get3A_15 = arith.constant 0 : index
    %get3A_16 = arith.constant 0 : index
    %get3A_17 = vector.load %arg4[%get3A_14, %get3A_15, %get3A_16] : memref<1x1x20000xf32, #tpu.memory_space<vmem>>, vector<1x1x20000xf32>
    %get3A_18 = vector.shape_cast %get3A_17 : vector<1x1x20000xf32> to vector<1x20000xf32>
    %get3A_19 = arith.constant 0 : index
    %get3A_20 = arith.constant 0 : index
    %get3A_21 = arith.constant 0 : index
    %get3A_22 = vector.load %arg5[%get3A_19, %get3A_20, %get3A_21] : memref<1x16x1xf32, #tpu.memory_space<vmem>>, vector<1x16x1xf32>
    %get3A_23 = vector.shape_cast %get3A_22 : vector<1x16x1xf32> to vector<16x1xf32>
    %mul3A = arith.constant 6.250000e-02 : f32
    %mul3A_24 = vector.broadcast %mul3A : f32 to vector<16x1xf32>
    %mul3A_25 = arith.mulf %get3A_23, %mul3A_24 : vector<16x1xf32>
    %get3A_26 = arith.constant 0 : index
    %get3A_27 = arith.constant 0 : index
    %get3A_28 = arith.constant 0 : index
    %get3A_29 = vector.load %arg6[%get3A_26, %get3A_27, %get3A_28] : memref<1x16x1xf32, #tpu.memory_space<vmem>>, vector<1x16x1xf32>
    %get3A_30 = vector.shape_cast %get3A_29 : vector<1x16x1xf32> to vector<16x1xf32>
    %mul3A_31 = arith.constant 6.250000e-02 : f32
    %mul3A_32 = vector.broadcast %mul3A_31 : f32 to vector<16x1xf32>
    %mul3A_33 = arith.mulf %get3A_30, %mul3A_32 : vector<16x1xf32>
    %get3A_34 = arith.constant 0 : index
    %get3A_35 = arith.constant 0 : index
    %get3A_36 = arith.constant 0 : index
    %get3A_37 = vector.load %arg7[%get3A_34, %get3A_35, %get3A_36] : memref<1x16x1xf32, #tpu.memory_space<vmem>>, vector<1x16x1xf32>
    %get3A_38 = vector.shape_cast %get3A_37 : vector<1x16x1xf32> to vector<16x1xf32>
    %mul3A_39 = arith.constant 6.250000e-02 : f32
    %mul3A_40 = vector.broadcast %mul3A_39 : f32 to vector<16x1xf32>
    %mul3A_41 = arith.mulf %get3A_38, %mul3A_40 : vector<16x1xf32>
    %get3A_42 = arith.constant 0 : index
    %get3A_43 = arith.constant 0 : index
    %get3A_44 = arith.constant 0 : index
    %get3A_45 = vector.load %arg8[%get3A_42, %get3A_43, %get3A_44] : memref<1x16x1xf32, #tpu.memory_space<vmem>>, vector<1x16x1xf32>
    %get3A_46 = vector.shape_cast %get3A_45 : vector<1x16x1xf32> to vector<16x1xf32>
    %mul3A_47 = arith.constant 6.250000e-02 : f32
    %mul3A_48 = vector.broadcast %mul3A_47 : f32 to vector<16x1xf32>
    %mul3A_49 = arith.mulf %get3A_46, %mul3A_48 : vector<16x1xf32>
    %sub3A = arith.subf %get3A_13, %get3A_3 : vector<1x20000xf32>
    %sub3A_50 = arith.subf %get3A_18, %get3A_8 : vector<1x20000xf32>
    %mul3A_51 = arith.mulf %sub3A, %sub3A_50 : vector<1x20000xf32>
    %sub3A_52 = arith.subf %mul3A_41, %mul3A_25 : vector<16x1xf32>
    %sub3A_53 = arith.subf %mul3A_49, %mul3A_33 : vector<16x1xf32>
    %mul3A_54 = arith.mulf %sub3A_52, %sub3A_53 : vector<16x1xf32>
    %min3A = vector.broadcast %get3A_13 : vector<1x20000xf32> to vector<16x20000xf32>
    %min3A_55 = vector.broadcast %mul3A_41 : vector<16x1xf32> to vector<16x20000xf32>
    %min3A_56 = arith.minimumf %min3A, %min3A_55 : vector<16x20000xf32>
    %max3A = vector.broadcast %get3A_3 : vector<1x20000xf32> to vector<16x20000xf32>
    %max3A_57 = vector.broadcast %mul3A_25 : vector<16x1xf32> to vector<16x20000xf32>
    %max3A_58 = arith.maximumf %max3A, %max3A_57 : vector<16x20000xf32>
    %sub3A_59 = arith.subf %min3A_56, %max3A_58 : vector<16x20000xf32>
    %max3A_60 = arith.constant 0.000000e+00 : f32
    %max3A_61 = vector.broadcast %max3A_60 : f32 to vector<16x20000xf32>
    %max3A_62 = arith.maximumf %sub3A_59, %max3A_61 : vector<16x20000xf32>
    %min3A_63 = vector.broadcast %get3A_18 : vector<1x20000xf32> to vector<16x20000xf32>
    %min3A_64 = vector.broadcast %mul3A_49 : vector<16x1xf32> to vector<16x20000xf32>
    %min3A_65 = arith.minimumf %min3A_63, %min3A_64 : vector<16x20000xf32>
    %max3A_66 = vector.broadcast %get3A_8 : vector<1x20000xf32> to vector<16x20000xf32>
    %max3A_67 = vector.broadcast %mul3A_33 : vector<16x1xf32> to vector<16x20000xf32>
    %max3A_68 = arith.maximumf %max3A_66, %max3A_67 : vector<16x20000xf32>
    %sub3A_69 = arith.subf %min3A_65, %max3A_68 : vector<16x20000xf32>
    %max3A_70 = arith.constant 0.000000e+00 : f32
    %max3A_71 = vector.broadcast %max3A_70 : f32 to vector<16x20000xf32>
    %max3A_72 = arith.maximumf %sub3A_69, %max3A_71 : vector<16x20000xf32>
    %mul3A_73 = arith.mulf %max3A_62, %max3A_72 : vector<16x20000xf32>
    %add3A = vector.broadcast %mul3A_51 : vector<1x20000xf32> to vector<16x20000xf32>
    %add3A_74 = vector.broadcast %mul3A_54 : vector<16x1xf32> to vector<16x20000xf32>
    %add3A_75 = arith.addf %add3A, %add3A_74 : vector<16x20000xf32>
    %sub3A_76 = arith.subf %add3A_75, %mul3A_73 : vector<16x20000xf32>
    %div3A = arith.divf %mul3A_73, %sub3A_76 : vector<16x20000xf32>
    %ge3A = arith.constant 0.000000e+00 : f32
    %ge3A_77 = vector.broadcast %ge3A : f32 to vector<1x20000xf32>
    %ge3A_78 = arith.cmpf oge, %get3A_3, %ge3A_77 : vector<1x20000xf32>
    %ge3A_79 = arith.constant 0.000000e+00 : f32
    %ge3A_80 = vector.broadcast %ge3A_79 : f32 to vector<1x20000xf32>
    %ge3A_81 = arith.cmpf oge, %get3A_8, %ge3A_80 : vector<1x20000xf32>
    %and3A = arith.andi %ge3A_78, %ge3A_81 : vector<1x20000xi1>
    %le3A = arith.constant 5.000000e+01 : f32
    %le3A_82 = vector.broadcast %le3A : f32 to vector<1x20000xf32>
    %le3A_83 = arith.cmpf ole, %get3A_13, %le3A_82 : vector<1x20000xf32>
    %and3A_84 = arith.andi %and3A, %le3A_83 : vector<1x20000xi1>
    %le3A_85 = arith.constant 5.000000e+01 : f32
    %le3A_86 = vector.broadcast %le3A_85 : f32 to vector<1x20000xf32>
    %le3A_87 = arith.cmpf ole, %get3A_18, %le3A_86 : vector<1x20000xf32>
    %and3A_88 = arith.andi %and3A_84, %le3A_87 : vector<1x20000xi1>
    %reduce_max3A = arith.constant dense<0xFF800000> : vector<20000xf32>
    %reduce_max3A_89 = vector.multi_reduction <maximumf>, %div3A, %reduce_max3A [0] : vector<16x20000xf32> to vector<20000xf32>
    %broadcast_in_dim3A = vector.shape_cast %reduce_max3A_89 : vector<20000xf32> to vector<1x20000xf32>
    %eq3A = vector.broadcast %broadcast_in_dim3A : vector<1x20000xf32> to vector<16x20000xf32>
    %eq3A_90 = arith.cmpf oeq, %div3A, %eq3A : vector<16x20000xf32>
    %gt3A = arith.constant 1.500000e-01 : f32
    %gt3A_91 = vector.broadcast %gt3A : f32 to vector<16x20000xf32>
    %gt3A_92 = arith.cmpf ogt, %div3A, %gt3A_91 : vector<16x20000xf32>
    %and3A_93 = arith.andi %eq3A_90, %gt3A_92 : vector<16x20000xi1>
    %ge3A_94 = arith.constant 0.699999988 : f32
    %ge3A_95 = vector.broadcast %ge3A_94 : f32 to vector<16x20000xf32>
    %ge3A_96 = arith.cmpf oge, %div3A, %ge3A_95 : vector<16x20000xf32>
    %or3A = arith.ori %and3A_93, %ge3A_96 : vector<16x20000xi1>
    %and3A_97 = vector.broadcast %and3A_88 : vector<1x20000xi1> to vector<16x20000xi1>
    %and3A_98 = arith.andi %or3A, %and3A_97 : vector<16x20000xi1>
    %lt3A = arith.constant 3.000000e-01 : f32
    %lt3A_99 = vector.broadcast %lt3A : f32 to vector<16x20000xf32>
    %lt3A_100 = arith.cmpf olt, %div3A, %lt3A_99 : vector<16x20000xf32>
    %not3A = arith.constant dense<true> : vector<16x20000xi1>
    %not3A_101 = arith.xori %and3A_98, %not3A : vector<16x20000xi1>
    %and3A_102 = arith.andi %lt3A_100, %not3A_101 : vector<16x20000xi1>
    %and3A_103 = vector.broadcast %and3A_88 : vector<1x20000xi1> to vector<16x20000xi1>
    %and3A_104 = arith.andi %and3A_102, %and3A_103 : vector<16x20000xi1>
    %jit3A = arith.constant 2 : i32
    %jit3A_105 = arith.constant 0 : i32
    %broadcast_in_dim3A_106 = vector.broadcast %jit3A : i32 to vector<16x20000xi32>
    %broadcast_in_dim3A_107 = vector.broadcast %jit3A_105 : i32 to vector<16x20000xi32>
    %select_n3A = arith.select %and3A_104, %broadcast_in_dim3A_106, %broadcast_in_dim3A_107 : vector<16x20000xi1>, vector<16x20000xi32>
    %jit3A_108 = arith.constant 1 : i32
    %broadcast_in_dim3A_109 = vector.broadcast %jit3A_108 : i32 to vector<16x20000xi32>
    %select_n3A_110 = arith.select %and3A_98, %broadcast_in_dim3A_109, %select_n3A : vector<16x20000xi1>, vector<16x20000xi32>
    %swap3A = arith.constant 0 : index
    %swap3A_111 = arith.constant 0 : index
    %swap3A_112 = arith.constant 0 : index
    %swap3A_113 = vector.load %arg9[%swap3A, %swap3A_111, %swap3A_112] : memref<1x16x20000xf32, #tpu.memory_space<vmem>>, vector<1x16x20000xf32>
    %swap3A_114 = vector.shape_cast %swap3A_113 : vector<1x16x20000xf32> to vector<16x20000xf32>
    %swap3A_115 = vector.shape_cast %div3A : vector<16x20000xf32> to vector<1x16x20000xf32>
    tpu.vector_store %arg9[%swap3A, %swap3A_111, %swap3A_112], %swap3A_115 {strides = array<i32>} : memref<1x16x20000xf32, #tpu.memory_space<vmem>>, vector<1x16x20000xf32>,
    %swap3A_116 = arith.constant 0 : index
    %swap3A_117 = arith.constant 0 : index
    %swap3A_118 = arith.constant 0 : index
    %swap3A_119 = vector.load %arg10[%swap3A_116, %swap3A_117, %swap3A_118] : memref<1x16x20000xi32, #tpu.memory_space<vmem>>, vector<1x16x20000xi32>
    %swap3A_120 = vector.shape_cast %swap3A_119 : vector<1x16x20000xi32> to vector<16x20000xi32>
    %swap3A_121 = vector.shape_cast %select_n3A_110 : vector<16x20000xi32> to vector<1x16x20000xi32>
    tpu.vector_store %arg10[%swap3A_116, %swap3A_117, %swap3A_118], %swap3A_121 {strides = array<i32>} : memref<1x16x20000xi32, #tpu.memory_space<vmem>>, vector<1x16x20000xi32>,
    return
  }
  func.func @transform_0(%arg0: i32) -> (i32, i32, i32) {
    %c0_i32 = arith.constant 0 : i32
    %c0_i32_0 = arith.constant 0 : i32
    %c0_i32_1 = arith.constant 0 : i32
    return %arg0, %c0_i32, %c0_i32_0 : i32, i32, i32
  }
  func.func @transform_1(%arg0: i32) -> (i32, i32, i32) {
    %c0_i32 = arith.constant 0 : i32
    %c0_i32_0 = arith.constant 0 : i32
    %c0_i32_1 = arith.constant 0 : i32
    return %arg0, %c0_i32, %c0_i32_0 : i32, i32, i32
  }
  func.func @transform_2(%arg0: i32) -> (i32, i32, i32) {
    %c0_i32 = arith.constant 0 : i32
    %c0_i32_0 = arith.constant 0 : i32
    %c0_i32_1 = arith.constant 0 : i32
    return %arg0, %c0_i32, %c0_i32_0 : i32, i32, i32
  }
  func.func @transform_3(%arg0: i32) -> (i32, i32, i32) {
    %c0_i32 = arith.constant 0 : i32
    %c0_i32_0 = arith.constant 0 : i32
    %c0_i32_1 = arith.constant 0 : i32
    return %arg0, %c0_i32, %c0_i32_0 : i32, i32, i32
  }
  func.func @transform_4(%arg0: i32) -> (i32, i32, i32) {
    %c0_i32 = arith.constant 0 : i32
    %c0_i32_0 = arith.constant 0 : i32
    %c0_i32_1 = arith.constant 0 : i32
    return %arg0, %c0_i32, %c0_i32_0 : i32, i32, i32
  }
  func.func @transform_5(%arg0: i32) -> (i32, i32, i32) {
    %c0_i32 = arith.constant 0 : i32
    %c0_i32_0 = arith.constant 0 : i32
    %c0_i32_1 = arith.constant 0 : i32
    return %arg0, %c0_i32, %c0_i32_0 : i32, i32, i32
  }
  func.func @transform_6(%arg0: i32) -> (i32, i32, i32) {
    %c0_i32 = arith.constant 0 : i32
    %c0_i32_0 = arith.constant 0 : i32
    %c0_i32_1 = arith.constant 0 : i32
    return %arg0, %c0_i32, %c0_i32_0 : i32, i32, i32
  }
  func.func @transform_7(%arg0: i32) -> (i32, i32, i32) {
    %c0_i32 = arith.constant 0 : i32
    %c0_i32_0 = arith.constant 0 : i32
    %c0_i32_1 = arith.constant 0 : i32
    return %arg0, %c0_i32, %c0_i32_0 : i32, i32, i32
  }
  func.func @transform_8(%arg0: i32) -> (i32, i32, i32) {
    %c0_i32 = arith.constant 0 : i32
    %c0_i32_0 = arith.constant 0 : i32
    %c0_i32_1 = arith.constant 0 : i32
    return %arg0, %c0_i32, %c0_i32_0 : i32, i32, i32
  }
  func.func @transform_9(%arg0: i32) -> (i32, i32, i32) {
    %c0_i32 = arith.constant 0 : i32
    %c0_i32_0 = arith.constant 0 : i32
    %c0_i32_1 = arith.constant 0 : i32
    return %arg0, %c0_i32, %c0_i32_0 : i32, i32, i32
  }
}

module attributes {stable_mosaic.version = 14 : i64} {
  func.func @_rank_body(%arg0: i32, %arg1: i32, %arg2: i32, %arg3: memref<1x128x1xf32, #tpu.memory_space<vmem>>, %arg4: memref<1x1x2048xf32, #tpu.memory_space<vmem>>, %arg5: memref<1x1x1xi32, #tpu.memory_space<vmem>>, %arg6: memref<1x128x1xi32, #tpu.memory_space<vmem>>) attributes {dimension_semantics = [#tpu.dimension_semantics<arbitrary>, #tpu.dimension_semantics<arbitrary>, #tpu.dimension_semantics<arbitrary>], iteration_bounds = array<i64: 4, 80, 5>, scalar_prefetch = 0 : i64, scratch_operands = 0 : i64, tpu.core_type = #tpu.core_type<tc>, window_params = [{transform_indices = @transform_0, window_bounds = array<i64: 1, 128, 1>}, {transform_indices = @transform_1, window_bounds = array<i64: 1, 1, 2048>}, {transform_indices = @transform_2, window_bounds = array<i64: 1, 1, 1>}, {transform_indices = @transform_3, window_bounds = array<i64: 1, 128, 1>}]} {
    %get3A = arith.constant 0 : index
    %get3A_0 = arith.constant 0 : index
    %get3A_1 = arith.constant 0 : index
    %get3A_2 = vector.load %arg5[%get3A, %get3A_0, %get3A_1] : memref<1x1x1xi32, #tpu.memory_space<vmem>>, vector<1x1x1xi32>
    %get3A_3 = vector.shape_cast %get3A_2 : vector<1x1x1xi32> to vector<1x1xi32>
    %reduce_max3A = vector.shape_cast %get3A_3 : vector<1x1xi32> to vector<1x1x1xi32>
    %reduce_max3A_4 = arith.constant dense<-2147483648> : vector<1xi32>
    %reduce_max3A_5 = vector.multi_reduction <maxsi>, %reduce_max3A, %reduce_max3A_4 [1, 2] : vector<1x1x1xi32> to vector<1xi32>
    %reduce_max3A_6 = vector.shape_cast %reduce_max3A_5 : vector<1xi32> to vector<1x1x1xi32>
    %reduce_max3A_7 = vector.extract %reduce_max3A_6[0, 0, 0] : i32 from vector<1x1x1xi32>
    %mul3A = arith.constant 128 : i32
    %mul3A_8 = arith.muli %arg1, %mul3A : i32
    %lt3A = arith.cmpi slt, %mul3A_8, %reduce_max3A_7 : i32
    %mul3A_9 = arith.constant 2048 : i32
    %mul3A_10 = arith.muli %arg2, %mul3A_9 : i32
    %lt3A_11 = arith.cmpi slt, %mul3A_10, %reduce_max3A_7 : i32
    %and3A = arith.andi %lt3A, %lt3A_11 : i1
    %convert_element_type3A = arith.extui %and3A : i1 to i32
    %cond3A = arith.constant 0 : i32
    %cond3A_12 = arith.cmpi ne, %convert_element_type3A, %cond3A : i32
    scf.if %cond3A_12 {
      %get3A_19 = arith.constant 0 : index
      %get3A_20 = arith.constant 0 : index
      %get3A_21 = arith.constant 0 : index
      %get3A_22 = vector.load %arg3[%get3A_19, %get3A_20, %get3A_21] : memref<1x128x1xf32, #tpu.memory_space<vmem>>, vector<1x128x1xf32>
      %get3A_23 = vector.shape_cast %get3A_22 : vector<1x128x1xf32> to vector<128x1xf32>
      %get3A_24 = arith.constant 0 : index
      %get3A_25 = arith.constant 0 : index
      %get3A_26 = arith.constant 0 : index
      %get3A_27 = vector.load %arg4[%get3A_24, %get3A_25, %get3A_26] : memref<1x1x2048xf32, #tpu.memory_space<vmem>>, vector<1x1x2048xf32>
      %get3A_28 = vector.shape_cast %get3A_27 : vector<1x1x2048xf32> to vector<2048xf32>
      %iota3A = tpu.iota {dimensions = array<i32: 0>} : vector<128x2048xi32>
      %mul3A_29 = arith.constant 128 : i32
      %mul3A_30 = arith.muli %arg1, %mul3A_29 : i32
      %add3A = vector.broadcast %mul3A_30 : i32 to vector<128x2048xi32>
      %add3A_31 = arith.addi %iota3A, %add3A : vector<128x2048xi32>
      %iota3A_32 = tpu.iota {dimensions = array<i32: 1>} : vector<128x2048xi32>
      %mul3A_33 = arith.constant 2048 : i32
      %mul3A_34 = arith.muli %arg2, %mul3A_33 : i32
      %add3A_35 = vector.broadcast %mul3A_34 : i32 to vector<128x2048xi32>
      %add3A_36 = arith.addi %iota3A_32, %add3A_35 : vector<128x2048xi32>
      %broadcast_in_dim3A = vector.shape_cast %get3A_28 : vector<2048xf32> to vector<1x2048xf32>
      %gt3A = vector.broadcast %broadcast_in_dim3A : vector<1x2048xf32> to vector<128x2048xf32>
      %gt3A_37 = vector.broadcast %get3A_23 : vector<128x1xf32> to vector<128x2048xf32>
      %gt3A_38 = arith.cmpf ogt, %gt3A, %gt3A_37 : vector<128x2048xf32>
      %broadcast_in_dim3A_39 = vector.shape_cast %get3A_28 : vector<2048xf32> to vector<1x2048xf32>
      %eq3A_40 = vector.broadcast %broadcast_in_dim3A_39 : vector<1x2048xf32> to vector<128x2048xf32>
      %eq3A_41 = vector.broadcast %get3A_23 : vector<128x1xf32> to vector<128x2048xf32>
      %eq3A_42 = arith.cmpf oeq, %eq3A_40, %eq3A_41 : vector<128x2048xf32>
      %lt3A_43 = arith.cmpi slt, %add3A_36, %add3A_31 : vector<128x2048xi32>
      %and3A_44 = arith.andi %eq3A_42, %lt3A_43 : vector<128x2048xi1>
      %or3A = arith.ori %gt3A_38, %and3A_44 : vector<128x2048xi1>
      %convert_element_type3A_45 = arith.extui %or3A : vector<128x2048xi1> to vector<128x2048xi32>
      %reduce_sum3A = arith.constant dense<0> : vector<128xi32>
      %reduce_sum3A_46 = vector.multi_reduction <add>, %convert_element_type3A_45, %reduce_sum3A [1] : vector<128x2048xi32> to vector<128xi32>
      %broadcast_in_dim3A_47 = vector.shape_cast %reduce_sum3A_46 : vector<128xi32> to vector<128x1xi32>
      %eq3A_48 = arith.constant 0 : i32
      %eq3A_49 = arith.cmpi eq, %arg2, %eq3A_48 : i32
      %convert_element_type3A_50 = arith.extui %eq3A_49 : i1 to i32
      %cond3A_51 = arith.constant 0 : i32
      %cond3A_52 = arith.cmpi ne, %convert_element_type3A_50, %cond3A_51 : i32
      scf.if %cond3A_52 {
        %swap3A = arith.constant 0 : index
        %swap3A_57 = arith.constant 0 : index
        %swap3A_58 = arith.constant 0 : index
        %swap3A_59 = vector.load %arg6[%swap3A, %swap3A_57, %swap3A_58] : memref<1x128x1xi32, #tpu.memory_space<vmem>>, vector<1x128x1xi32>
        %swap3A_60 = vector.shape_cast %swap3A_59 : vector<1x128x1xi32> to vector<128x1xi32>
        %swap3A_61 = vector.shape_cast %broadcast_in_dim3A_47 : vector<128x1xi32> to vector<1x128x1xi32>
        tpu.vector_store %arg6[%swap3A, %swap3A_57, %swap3A_58], %swap3A_61 {strides = array<i32>} : memref<1x128x1xi32, #tpu.memory_space<vmem>>, vector<1x128x1xi32>,
      } else {
      }
      %ne3A = arith.constant 0 : i32
      %ne3A_53 = arith.cmpi ne, %arg2, %ne3A : i32
      %convert_element_type3A_54 = arith.extui %ne3A_53 : i1 to i32
      %cond3A_55 = arith.constant 0 : i32
      %cond3A_56 = arith.cmpi ne, %convert_element_type3A_54, %cond3A_55 : i32
      scf.if %cond3A_56 {
        %get3A_57 = arith.constant 0 : index
        %get3A_58 = arith.constant 0 : index
        %get3A_59 = arith.constant 0 : index
        %get3A_60 = vector.load %arg6[%get3A_57, %get3A_58, %get3A_59] : memref<1x128x1xi32, #tpu.memory_space<vmem>>, vector<1x128x1xi32>
        %get3A_61 = vector.shape_cast %get3A_60 : vector<1x128x1xi32> to vector<128x1xi32>
        %add3A_62 = arith.addi %get3A_61, %broadcast_in_dim3A_47 : vector<128x1xi32>
        %swap3A = arith.constant 0 : index
        %swap3A_63 = arith.constant 0 : index
        %swap3A_64 = arith.constant 0 : index
        %swap3A_65 = vector.load %arg6[%swap3A, %swap3A_63, %swap3A_64] : memref<1x128x1xi32, #tpu.memory_space<vmem>>, vector<1x128x1xi32>
        %swap3A_66 = vector.shape_cast %swap3A_65 : vector<1x128x1xi32> to vector<128x1xi32>
        %swap3A_67 = vector.shape_cast %add3A_62 : vector<128x1xi32> to vector<1x128x1xi32>
        tpu.vector_store %arg6[%swap3A, %swap3A_63, %swap3A_64], %swap3A_67 {strides = array<i32>} : memref<1x128x1xi32, #tpu.memory_space<vmem>>, vector<1x128x1xi32>,
      } else {
      }
    } else {
    }
    %not3A = arith.constant true
    %not3A_13 = arith.xori %and3A, %not3A : i1
    %eq3A = arith.constant 0 : i32
    %eq3A_14 = arith.cmpi eq, %arg2, %eq3A : i32
    %and3A_15 = arith.andi %not3A_13, %eq3A_14 : i1
    %convert_element_type3A_16 = arith.extui %and3A_15 : i1 to i32
    %cond3A_17 = arith.constant 0 : i32
    %cond3A_18 = arith.cmpi ne, %convert_element_type3A_16, %cond3A_17 : i32
    scf.if %cond3A_18 {
      %broadcast_in_dim3A = arith.constant 0 : i32
      %broadcast_in_dim3A_19 = vector.broadcast %broadcast_in_dim3A : i32 to vector<128x1xi32>
      %swap3A = arith.constant 0 : index
      %swap3A_20 = arith.constant 0 : index
      %swap3A_21 = arith.constant 0 : index
      %swap3A_22 = vector.load %arg6[%swap3A, %swap3A_20, %swap3A_21] : memref<1x128x1xi32, #tpu.memory_space<vmem>>, vector<1x128x1xi32>
      %swap3A_23 = vector.shape_cast %swap3A_22 : vector<1x128x1xi32> to vector<128x1xi32>
      %swap3A_24 = vector.shape_cast %broadcast_in_dim3A_19 : vector<128x1xi32> to vector<1x128x1xi32>
      tpu.vector_store %arg6[%swap3A, %swap3A_20, %swap3A_21], %swap3A_24 {strides = array<i32>} : memref<1x128x1xi32, #tpu.memory_space<vmem>>, vector<1x128x1xi32>,
    } else {
    }
    return
  }
  func.func @transform_0(%arg0: i32, %arg1: i32, %arg2: i32) -> (i32, i32, i32) {
    %c0_i32 = arith.constant 0 : i32
    %c0_i32_0 = arith.constant 0 : i32
    return %arg0, %arg1, %c0_i32 : i32, i32, i32
  }
  func.func @transform_1(%arg0: i32, %arg1: i32, %arg2: i32) -> (i32, i32, i32) {
    %c0_i32 = arith.constant 0 : i32
    %c0_i32_0 = arith.constant 0 : i32
    return %arg0, %c0_i32, %arg2 : i32, i32, i32
  }
  func.func @transform_2(%arg0: i32, %arg1: i32, %arg2: i32) -> (i32, i32, i32) {
    %c0_i32 = arith.constant 0 : i32
    %c0_i32_0 = arith.constant 0 : i32
    %c0_i32_1 = arith.constant 0 : i32
    return %arg0, %c0_i32, %c0_i32_0 : i32, i32, i32
  }
  func.func @transform_3(%arg0: i32, %arg1: i32, %arg2: i32) -> (i32, i32, i32) {
    %c0_i32 = arith.constant 0 : i32
    %c0_i32_0 = arith.constant 0 : i32
    return %arg0, %arg1, %c0_i32 : i32, i32, i32
  }
}

module attributes {stable_mosaic.version = 14 : i64} {
  func.func @body(%arg0: i32, %arg1: memref<1x1x20000xf32, #tpu.memory_space<vmem>>, %arg2: memref<1x1x20000xf32, #tpu.memory_space<vmem>>, %arg3: memref<1x1x20000xf32, #tpu.memory_space<vmem>>, %arg4: memref<1x1x20000xf32, #tpu.memory_space<vmem>>, %arg5: memref<1x1x1xf32, #tpu.memory_space<vmem>>, %arg6: memref<1x1x1xf32, #tpu.memory_space<vmem>>, %arg7: memref<1x1x1xf32, #tpu.memory_space<vmem>>, %arg8: memref<1x1x1xf32, #tpu.memory_space<vmem>>, %arg9: memref<1x1x1xi32, #tpu.memory_space<vmem>>, %arg10: memref<1x1x20000xf32, #tpu.memory_space<vmem>>, %arg11: memref<1x1x20000xf32, #tpu.memory_space<vmem>>, %arg12: memref<1x1x20000xf32, #tpu.memory_space<vmem>>, %arg13: memref<1x1x20000xf32, #tpu.memory_space<vmem>>, %arg14: memref<1x1x20000xf32, #tpu.memory_space<vmem>>) attributes {dimension_semantics = [#tpu.dimension_semantics<arbitrary>], iteration_bounds = array<i64: 4>, scalar_prefetch = 0 : i64, scratch_operands = 0 : i64, tpu.core_type = #tpu.core_type<tc>, window_params = [{transform_indices = @transform_0, window_bounds = array<i64: 1, 1, 20000>}, {transform_indices = @transform_1, window_bounds = array<i64: 1, 1, 20000>}, {transform_indices = @transform_2, window_bounds = array<i64: 1, 1, 20000>}, {transform_indices = @transform_3, window_bounds = array<i64: 1, 1, 20000>}, {transform_indices = @transform_4, window_bounds = array<i64: 1, 1, 1>}, {transform_indices = @transform_5, window_bounds = array<i64: 1, 1, 1>}, {transform_indices = @transform_6, window_bounds = array<i64: 1, 1, 1>}, {transform_indices = @transform_7, window_bounds = array<i64: 1, 1, 1>}, {transform_indices = @transform_8, window_bounds = array<i64: 1, 1, 1>}, {transform_indices = @transform_9, window_bounds = array<i64: 1, 1, 20000>}, {transform_indices = @transform_10, window_bounds = array<i64: 1, 1, 20000>}, {transform_indices = @transform_11, window_bounds = array<i64: 1, 1, 20000>}, {transform_indices = @transform_12, window_bounds = array<i64: 1, 1, 20000>}, {transform_indices = @transform_13, window_bounds = array<i64: 1, 1, 20000>}]} {
    %get3A = arith.constant 0 : index
    %get3A_0 = arith.constant 0 : index
    %get3A_1 = arith.constant 0 : index
    %get3A_2 = vector.load %arg1[%get3A, %get3A_0, %get3A_1] : memref<1x1x20000xf32, #tpu.memory_space<vmem>>, vector<1x1x20000xf32>
    %get3A_3 = vector.shape_cast %get3A_2 : vector<1x1x20000xf32> to vector<1x20000xf32>
    %get3A_4 = arith.constant 0 : index
    %get3A_5 = arith.constant 0 : index
    %get3A_6 = arith.constant 0 : index
    %get3A_7 = vector.load %arg2[%get3A_4, %get3A_5, %get3A_6] : memref<1x1x20000xf32, #tpu.memory_space<vmem>>, vector<1x1x20000xf32>
    %get3A_8 = vector.shape_cast %get3A_7 : vector<1x1x20000xf32> to vector<1x20000xf32>
    %get3A_9 = arith.constant 0 : index
    %get3A_10 = arith.constant 0 : index
    %get3A_11 = arith.constant 0 : index
    %get3A_12 = vector.load %arg3[%get3A_9, %get3A_10, %get3A_11] : memref<1x1x20000xf32, #tpu.memory_space<vmem>>, vector<1x1x20000xf32>
    %get3A_13 = vector.shape_cast %get3A_12 : vector<1x1x20000xf32> to vector<1x20000xf32>
    %get3A_14 = arith.constant 0 : index
    %get3A_15 = arith.constant 0 : index
    %get3A_16 = arith.constant 0 : index
    %get3A_17 = vector.load %arg4[%get3A_14, %get3A_15, %get3A_16] : memref<1x1x20000xf32, #tpu.memory_space<vmem>>, vector<1x1x20000xf32>
    %get3A_18 = vector.shape_cast %get3A_17 : vector<1x1x20000xf32> to vector<1x20000xf32>
    %add3A = arith.addf %get3A_3, %get3A_13 : vector<1x20000xf32>
    %div3A = arith.constant 2.000000e+00 : f32
    %div3A_19 = vector.broadcast %div3A : f32 to vector<1x20000xf32>
    %div3A_20 = arith.divf %add3A, %div3A_19 : vector<1x20000xf32>
    %add3A_21 = arith.addf %get3A_8, %get3A_18 : vector<1x20000xf32>
    %div3A_22 = arith.constant 2.000000e+00 : f32
    %div3A_23 = vector.broadcast %div3A_22 : f32 to vector<1x20000xf32>
    %div3A_24 = arith.divf %add3A_21, %div3A_23 : vector<1x20000xf32>
    %sub3A = arith.subf %get3A_13, %get3A_3 : vector<1x20000xf32>
    %sub3A_25 = arith.subf %get3A_18, %get3A_8 : vector<1x20000xf32>
    %get3A_26 = arith.constant 0 : index
    %get3A_27 = arith.constant 0 : index
    %get3A_28 = arith.constant 0 : index
    %get3A_29 = vector.load %arg5[%get3A_26, %get3A_27, %get3A_28] : memref<1x1x1xf32, #tpu.memory_space<vmem>>, vector<1x1x1xf32>
    %get3A_30 = vector.shape_cast %get3A_29 : vector<1x1x1xf32> to vector<1x1xf32>
    %mul3A = arith.constant 6.250000e-02 : f32
    %mul3A_31 = vector.broadcast %mul3A : f32 to vector<1x1xf32>
    %mul3A_32 = arith.mulf %get3A_30, %mul3A_31 : vector<1x1xf32>
    %get3A_33 = arith.constant 0 : index
    %get3A_34 = arith.constant 0 : index
    %get3A_35 = arith.constant 0 : index
    %get3A_36 = vector.load %arg6[%get3A_33, %get3A_34, %get3A_35] : memref<1x1x1xf32, #tpu.memory_space<vmem>>, vector<1x1x1xf32>
    %get3A_37 = vector.shape_cast %get3A_36 : vector<1x1x1xf32> to vector<1x1xf32>
    %mul3A_38 = arith.constant 6.250000e-02 : f32
    %mul3A_39 = vector.broadcast %mul3A_38 : f32 to vector<1x1xf32>
    %mul3A_40 = arith.mulf %get3A_37, %mul3A_39 : vector<1x1xf32>
    %get3A_41 = arith.constant 0 : index
    %get3A_42 = arith.constant 0 : index
    %get3A_43 = arith.constant 0 : index
    %get3A_44 = vector.load %arg7[%get3A_41, %get3A_42, %get3A_43] : memref<1x1x1xf32, #tpu.memory_space<vmem>>, vector<1x1x1xf32>
    %get3A_45 = vector.shape_cast %get3A_44 : vector<1x1x1xf32> to vector<1x1xf32>
    %mul3A_46 = arith.constant 6.250000e-02 : f32
    %mul3A_47 = vector.broadcast %mul3A_46 : f32 to vector<1x1xf32>
    %mul3A_48 = arith.mulf %get3A_45, %mul3A_47 : vector<1x1xf32>
    %get3A_49 = arith.constant 0 : index
    %get3A_50 = arith.constant 0 : index
    %get3A_51 = arith.constant 0 : index
    %get3A_52 = vector.load %arg8[%get3A_49, %get3A_50, %get3A_51] : memref<1x1x1xf32, #tpu.memory_space<vmem>>, vector<1x1x1xf32>
    %get3A_53 = vector.shape_cast %get3A_52 : vector<1x1x1xf32> to vector<1x1xf32>
    %mul3A_54 = arith.constant 6.250000e-02 : f32
    %mul3A_55 = vector.broadcast %mul3A_54 : f32 to vector<1x1xf32>
    %mul3A_56 = arith.mulf %get3A_53, %mul3A_55 : vector<1x1xf32>
    %add3A_57 = arith.addf %mul3A_32, %mul3A_48 : vector<1x1xf32>
    %div3A_58 = arith.constant 2.000000e+00 : f32
    %div3A_59 = vector.broadcast %div3A_58 : f32 to vector<1x1xf32>
    %div3A_60 = arith.divf %add3A_57, %div3A_59 : vector<1x1xf32>
    %add3A_61 = arith.addf %mul3A_40, %mul3A_56 : vector<1x1xf32>
    %div3A_62 = arith.constant 2.000000e+00 : f32
    %div3A_63 = vector.broadcast %div3A_62 : f32 to vector<1x1xf32>
    %div3A_64 = arith.divf %add3A_61, %div3A_63 : vector<1x1xf32>
    %sub3A_65 = arith.subf %mul3A_48, %mul3A_32 : vector<1x1xf32>
    %sub3A_66 = arith.subf %mul3A_56, %mul3A_40 : vector<1x1xf32>
    %sub3A_67 = vector.broadcast %div3A_60 : vector<1x1xf32> to vector<1x20000xf32>
    %sub3A_68 = arith.subf %sub3A_67, %div3A_20 : vector<1x20000xf32>
    %div3A_69 = arith.divf %sub3A_68, %sub3A : vector<1x20000xf32>
    %swap3A = arith.constant 0 : index
    %swap3A_70 = arith.constant 0 : index
    %swap3A_71 = arith.constant 0 : index
    %swap3A_72 = vector.load %arg10[%swap3A, %swap3A_70, %swap3A_71] : memref<1x1x20000xf32, #tpu.memory_space<vmem>>, vector<1x1x20000xf32>
    %swap3A_73 = vector.shape_cast %swap3A_72 : vector<1x1x20000xf32> to vector<1x20000xf32>
    %swap3A_74 = vector.shape_cast %div3A_69 : vector<1x20000xf32> to vector<1x1x20000xf32>
    tpu.vector_store %arg10[%swap3A, %swap3A_70, %swap3A_71], %swap3A_74 {strides = array<i32>} : memref<1x1x20000xf32, #tpu.memory_space<vmem>>, vector<1x1x20000xf32>,
    %sub3A_75 = vector.broadcast %div3A_64 : vector<1x1xf32> to vector<1x20000xf32>
    %sub3A_76 = arith.subf %sub3A_75, %div3A_24 : vector<1x20000xf32>
    %div3A_77 = arith.divf %sub3A_76, %sub3A_25 : vector<1x20000xf32>
    %swap3A_78 = arith.constant 0 : index
    %swap3A_79 = arith.constant 0 : index
    %swap3A_80 = arith.constant 0 : index
    %swap3A_81 = vector.load %arg11[%swap3A_78, %swap3A_79, %swap3A_80] : memref<1x1x20000xf32, #tpu.memory_space<vmem>>, vector<1x1x20000xf32>
    %swap3A_82 = vector.shape_cast %swap3A_81 : vector<1x1x20000xf32> to vector<1x20000xf32>
    %swap3A_83 = vector.shape_cast %div3A_77 : vector<1x20000xf32> to vector<1x1x20000xf32>
    tpu.vector_store %arg11[%swap3A_78, %swap3A_79, %swap3A_80], %swap3A_83 {strides = array<i32>} : memref<1x1x20000xf32, #tpu.memory_space<vmem>>, vector<1x1x20000xf32>,
    %div3A_84 = vector.broadcast %sub3A_65 : vector<1x1xf32> to vector<1x20000xf32>
    %div3A_85 = arith.divf %div3A_84, %sub3A : vector<1x20000xf32>
    %log3A = math.log %div3A_85 : vector<1x20000xf32>
    %swap3A_86 = arith.constant 0 : index
    %swap3A_87 = arith.constant 0 : index
    %swap3A_88 = arith.constant 0 : index
    %swap3A_89 = vector.load %arg12[%swap3A_86, %swap3A_87, %swap3A_88] : memref<1x1x20000xf32, #tpu.memory_space<vmem>>, vector<1x1x20000xf32>
    %swap3A_90 = vector.shape_cast %swap3A_89 : vector<1x1x20000xf32> to vector<1x20000xf32>
    %swap3A_91 = vector.shape_cast %log3A : vector<1x20000xf32> to vector<1x1x20000xf32>
    tpu.vector_store %arg12[%swap3A_86, %swap3A_87, %swap3A_88], %swap3A_91 {strides = array<i32>} : memref<1x1x20000xf32, #tpu.memory_space<vmem>>, vector<1x1x20000xf32>,
    %div3A_92 = vector.broadcast %sub3A_66 : vector<1x1xf32> to vector<1x20000xf32>
    %div3A_93 = arith.divf %div3A_92, %sub3A_25 : vector<1x20000xf32>
    %log3A_94 = math.log %div3A_93 : vector<1x20000xf32>
    %swap3A_95 = arith.constant 0 : index
    %swap3A_96 = arith.constant 0 : index
    %swap3A_97 = arith.constant 0 : index
    %swap3A_98 = vector.load %arg13[%swap3A_95, %swap3A_96, %swap3A_97] : memref<1x1x20000xf32, #tpu.memory_space<vmem>>, vector<1x1x20000xf32>
    %swap3A_99 = vector.shape_cast %swap3A_98 : vector<1x1x20000xf32> to vector<1x20000xf32>
    %swap3A_100 = vector.shape_cast %log3A_94 : vector<1x20000xf32> to vector<1x1x20000xf32>
    tpu.vector_store %arg13[%swap3A_95, %swap3A_96, %swap3A_97], %swap3A_100 {strides = array<i32>} : memref<1x1x20000xf32, #tpu.memory_space<vmem>>, vector<1x1x20000xf32>,
    %get3A_101 = arith.constant 0 : index
    %get3A_102 = arith.constant 0 : index
    %get3A_103 = arith.constant 0 : index
    %get3A_104 = vector.load %arg9[%get3A_101, %get3A_102, %get3A_103] : memref<1x1x1xi32, #tpu.memory_space<vmem>>, vector<1x1x1xi32>
    %get3A_105 = vector.shape_cast %get3A_104 : vector<1x1x1xi32> to vector<1x1xi32>
    %min3A = arith.constant 10000 : i32
    %min3A_106 = vector.broadcast %min3A : i32 to vector<1x1xi32>
    %min3A_107 = arith.minsi %get3A_105, %min3A_106 : vector<1x1xi32>
    %iota3A = tpu.iota {dimensions = array<i32: 1>} : vector<1x20000xi32>
    %lt3A = vector.broadcast %min3A_107 : vector<1x1xi32> to vector<1x20000xi32>
    %lt3A_108 = arith.cmpi slt, %iota3A, %lt3A : vector<1x20000xi32>
    %convert_element_type3A = arith.extui %lt3A_108 : vector<1x20000xi1> to vector<1x20000xi32>
    %convert_element_type3A_109 = arith.sitofp %convert_element_type3A : vector<1x20000xi32> to vector<1x20000xf32>
    %swap3A_110 = arith.constant 0 : index
    %swap3A_111 = arith.constant 0 : index
    %swap3A_112 = arith.constant 0 : index
    %swap3A_113 = vector.load %arg14[%swap3A_110, %swap3A_111, %swap3A_112] : memref<1x1x20000xf32, #tpu.memory_space<vmem>>, vector<1x1x20000xf32>
    %swap3A_114 = vector.shape_cast %swap3A_113 : vector<1x1x20000xf32> to vector<1x20000xf32>
    %swap3A_115 = vector.shape_cast %convert_element_type3A_109 : vector<1x20000xf32> to vector<1x1x20000xf32>
    tpu.vector_store %arg14[%swap3A_110, %swap3A_111, %swap3A_112], %swap3A_115 {strides = array<i32>} : memref<1x1x20000xf32, #tpu.memory_space<vmem>>, vector<1x1x20000xf32>,
    return
  }
  func.func @transform_0(%arg0: i32) -> (i32, i32, i32) {
    %c0_i32 = arith.constant 0 : i32
    %c0_i32_0 = arith.constant 0 : i32
    %c0_i32_1 = arith.constant 0 : i32
    return %arg0, %c0_i32, %c0_i32_0 : i32, i32, i32
  }
  func.func @transform_1(%arg0: i32) -> (i32, i32, i32) {
    %c0_i32 = arith.constant 0 : i32
    %c0_i32_0 = arith.constant 0 : i32
    %c0_i32_1 = arith.constant 0 : i32
    return %arg0, %c0_i32, %c0_i32_0 : i32, i32, i32
  }
  func.func @transform_2(%arg0: i32) -> (i32, i32, i32) {
    %c0_i32 = arith.constant 0 : i32
    %c0_i32_0 = arith.constant 0 : i32
    %c0_i32_1 = arith.constant 0 : i32
    return %arg0, %c0_i32, %c0_i32_0 : i32, i32, i32
  }
  func.func @transform_3(%arg0: i32) -> (i32, i32, i32) {
    %c0_i32 = arith.constant 0 : i32
    %c0_i32_0 = arith.constant 0 : i32
    %c0_i32_1 = arith.constant 0 : i32
    return %arg0, %c0_i32, %c0_i32_0 : i32, i32, i32
  }
  func.func @transform_4(%arg0: i32) -> (i32, i32, i32) {
    %c0_i32 = arith.constant 0 : i32
    %c0_i32_0 = arith.constant 0 : i32
    %c0_i32_1 = arith.constant 0 : i32
    return %arg0, %c0_i32, %c0_i32_0 : i32, i32, i32
  }
  func.func @transform_5(%arg0: i32) -> (i32, i32, i32) {
    %c0_i32 = arith.constant 0 : i32
    %c0_i32_0 = arith.constant 0 : i32
    %c0_i32_1 = arith.constant 0 : i32
    return %arg0, %c0_i32, %c0_i32_0 : i32, i32, i32
  }
  func.func @transform_6(%arg0: i32) -> (i32, i32, i32) {
    %c0_i32 = arith.constant 0 : i32
    %c0_i32_0 = arith.constant 0 : i32
    %c0_i32_1 = arith.constant 0 : i32
    return %arg0, %c0_i32, %c0_i32_0 : i32, i32, i32
  }
  func.func @transform_7(%arg0: i32) -> (i32, i32, i32) {
    %c0_i32 = arith.constant 0 : i32
    %c0_i32_0 = arith.constant 0 : i32
    %c0_i32_1 = arith.constant 0 : i32
    return %arg0, %c0_i32, %c0_i32_0 : i32, i32, i32
  }
  func.func @transform_8(%arg0: i32) -> (i32, i32, i32) {
    %c0_i32 = arith.constant 0 : i32
    %c0_i32_0 = arith.constant 0 : i32
    %c0_i32_1 = arith.constant 0 : i32
    return %arg0, %c0_i32, %c0_i32_0 : i32, i32, i32
  }
  func.func @transform_9(%arg0: i32) -> (i32, i32, i32) {
    %c0_i32 = arith.constant 0 : i32
    %c0_i32_0 = arith.constant 0 : i32
    %c0_i32_1 = arith.constant 0 : i32
    return %arg0, %c0_i32, %c0_i32_0 : i32, i32, i32
  }
  func.func @transform_10(%arg0: i32) -> (i32, i32, i32) {
    %c0_i32 = arith.constant 0 : i32
    %c0_i32_0 = arith.constant 0 : i32
    %c0_i32_1 = arith.constant 0 : i32
    return %arg0, %c0_i32, %c0_i32_0 : i32, i32, i32
  }
  func.func @transform_11(%arg0: i32) -> (i32, i32, i32) {
    %c0_i32 = arith.constant 0 : i32
    %c0_i32_0 = arith.constant 0 : i32
    %c0_i32_1 = arith.constant 0 : i32
    return %arg0, %c0_i32, %c0_i32_0 : i32, i32, i32
  }
  func.func @transform_12(%arg0: i32) -> (i32, i32, i32) {
    %c0_i32 = arith.constant 0 : i32
    %c0_i32_0 = arith.constant 0 : i32
    %c0_i32_1 = arith.constant 0 : i32
    return %arg0, %c0_i32, %c0_i32_0 : i32, i32, i32
  }
  func.func @transform_13(%arg0: i32) -> (i32, i32, i32) {
    %c0_i32 = arith.constant 0 : i32
    %c0_i32_0 = arith.constant 0 : i32
    %c0_i32_1 = arith.constant 0 : i32
    return %arg0, %c0_i32, %c0_i32_0 : i32, i32, i32
  }
}

</mosaic_0001>

<sc_bundles>
// kernel: kernel.10.cloned.1.call-start
scs
__scs_entry_jumppad:
0x0: {  	(pc) =	sbr.rel $0x88, $3  }
0x1: {  	(tag) =	ssettag $0x0;
	lr =	simm.s32 $0x1  }
0x2: {  	[smem:$0x3F9E] =	sst lr;
	_ =	strace $0xD0000000  }
0x3: {  	_ = 	snop  }
0x4: {  	_ = 	snop  }
0x5: {  	_ = 	snop  }
0x6: {  	_ = 	snop  }
0x7: {  	_ = 	snop  }
__scs_overlays_trampoline_lowered:
0x8: {  	[smem:$0x3FAD] =	sst s0  }
0x9: {  	[smem:$0x3FAE] =	sst s1  }
0xa: {  	[smem:$0x3FAF] =	sst s2  }
0xb: {  	[smem:$0x3FB0] =	sst s3  }
0xc: {  	[smem:$0x3FB1] =	sst s4  }
0xd: {  	[smem:$0x3FB2] =	sst s5  }
0xe: {  	[smem:$0x3FB3] =	sst s6  }
0xf: {  	[smem:$0x3FB4] =	sst s7  }
0x10: {  	[smem:$0x3FB5] =	sst s8  }
0x11: {  	[smem:$0x3FB6] =	sst s9;
	s0 =	simm.s32 @!p0 $0x0  }
0x12: {  	s1 =	sld [smem:$0x3F9C];
	s0 =	simm.s32 @p0 $0x1  }
0x13: {  	[smem:$0x3FB7] =	sst s0;
	s0 =	simm.s32 @!p1 $0x0  }
0x14: {  	s2 =	sld [smem:$0x3F9B];
	s0 =	simm.s32 @p1 $0x1  }
0x15: {  	[smem:$0x3FB8] =	sst s0;
	s0 =	simm.s32 @!p2 $0x0  }
0x16: {  	s3 =	sld [smem:$0x3FDB];
	s0 =	simm.s32 @p2 $0x1  }
0x17: {  	s4 =	simm.s32 $0x1BF5;
	[smem:$0x3FBA] =	sst s0  }
0x18: {  	s0 =	sld [smem:$0x3F9D];
	_ =	swait.ge [sflag:s4], $0x0  }
0x19: {  	s7 =	sld [smem:$0x3F9E]  }
0x1a: {  	s8 =	sadd.s32 $0xFFFFE003, lr  }
0x1b: {  	s9 =	sadd.s32 $0xFFFFFEF7, lr;
	s5 =	simm.s32 $0xFFFFFFFF;
	p2 =	slt.u32 s8, $0xFFFFF086  }
0x1c: {  	p1 =	slt.u32 s9, $0xF7A;
	s5 =	simm.s32 @!p2 $0x0  }
0x1d: {  	s5 =	simm.s32 @p1 $0x1;
	p0 =	seq.s32 s7, s2  }
0x1e: {  	s7 =	smul.u32 @!p0 $0xF7A, s2;
	p2 =	seq.s32 @!p0 s5, $0x0  }
0x1f: {  	s9 =	smul.u32 $0xF7A, s1;
	s8 =	simm.s32 @!p0 $0x1BF5;
	p2 =	por !p2, p0  }
0x20: {  	[sflag:s8] =	ssyncset.s32 @!p0 $0xFFFFF086;
	s6 =	sadd.s32 @!p0 s3, s7;
	s7 =	simm.s32 @!p0 $0x108  }
0x21: {  	s3 =	sadd.s32 s3, s9;
	s6 =	sadd.s32 @!p0 $0x88, s6;
	s7 =	simm.s32 @p2 $0x1082  }
0x22: {  	[simem:s7], [sflag:s8] =	dma.local @!p0 [hbm:s6], $0xF7A  }
0x23: {  	s9 =	sor.u32 $0xD0000000, s2;
	s6 =	simm.s32 $0x108;
	_ =	swait.ge @!p0 [sflag:s8], $0x0  }
0x24: {  	s3 =	sadd.s32 $0x88, s3;
	s6 =	simm.s32 @!p1 $0x1082;
	[sflag:s4] =	ssyncset.s32 $0xFFFFF086  }
0x25: {  	[simem:s6], [sflag:s4] =	dma.local [hbm:s3], $0xF7A  }
0x26: {  	[smem:$0x3F9E] =	sst s1;
	(tag) =	ssettag s2;
	_ =	strace s9  }
0x27: {  	s1 =	sld [smem:$0x3FAE]  }
0x28: {  	s2 =	sld [smem:$0x3FAF]  }
0x29: {  	s4 =	sld [smem:$0x3FB1]  }
0x2a: {  	p0 =	seq.s32 s5, $0x0;
	s5 =	sld [smem:$0x3FB2]  }
0x2b: {  	s6 =	sld [smem:$0x3FB3]  }
0x2c: {  	s7 =	sld [smem:$0x3FB4]  }
0x2d: {  	s3 =	simm.s32 $0x108;
	s8 =	sld [smem:$0x3FB5]  }
0x2e: {  	s3 =	simm.s32 @!p0 $0x1082;
	s9 =	sld [smem:$0x3FB6]  }
0x2f: {  	lr =	sadd.s32 s0, s3;
	s0 =	sld [smem:$0x3FAD]  }
0x30: {  	s3 =	sld [smem:$0x3FB0]  }
0x31: {  	[smem:$0x3FB9] =	sst s10  }
0x32: {  	s10 =	sld [smem:$0x3FB7];
	_ =	sdelay $0x3  }
0x33: {  	p0 =	seq.s32 s10, $0x1;
	s10 =	sld [smem:$0x3FB9];
	_ =	sdelay $0x3  }
0x34: {  	[smem:$0x3FB9] =	sst s10  }
0x35: {  	s10 =	sld [smem:$0x3FB8];
	_ =	sdelay $0x3  }
0x36: {  	p1 =	seq.s32 s10, $0x1;
	s10 =	sld [smem:$0x3FB9];
	_ =	sdelay $0x3  }
0x37: {  	[smem:$0x3FB9] =	sst s10  }
0x38: {  	s10 =	sld [smem:$0x3FBA]  }
0x39: {  	_ = 	snop;
	(pc) =	sbr.ind lr, $3  }
0x3a: {  	_ = 	snop  }
0x3b: {  	_ = 	snop  }
0x3c: {  	p2 =	seq.s32 s10, $0x1;
	s10 =	sld [smem:$0x3FB9]  }
0x3d: {  	_ =	shalt  }
0x3e: {  	_ =	shalt  }
0x3f: {  	_ =	shalt  }
0x40: {  	_ =	shalt  }
0x41: {  	_ =	shalt  }
0x42: {  	_ =	shalt  }
0x43: {  	_ =	shalt  }
0x44: {  	_ =	shalt  }
0x45: {  	_ =	shalt  }
0x46: {  	_ =	shalt  }
0x47: {  	_ =	shalt  }
0x48: {  	_ =	shalt  }
0x49: {  	_ =	shalt  }
0x4a: {  	_ =	shalt  }
0x4b: {  	_ =	shalt  }
0x4c: {  	_ =	shalt  }
0x4d: {  	_ =	shalt  }
0x4e: {  	_ =	shalt  }
0x4f: {  	_ =	shalt  }
0x50: {  	_ =	shalt  }
0x51: {  	_ =	shalt  }
0x52: {  	_ =	shalt  }
0x53: {  	_ =	shalt  }
0x54: {  	_ =	shalt  }
0x55: {  	_ =	shalt  }
0x56: {  	_ =	shalt  }
0x57: {  	_ =	shalt  }
0x58: {  	_ =	shalt  }
0x59: {  	_ =	shalt  }
0x5a: {  	_ =	shalt  }
0x5b: {  	_ =	shalt  }
0x5c: {  	_ =	shalt  }
0x5d: {  	_ =	shalt  }
0x5e: {  	_ =	shalt  }
0x5f: {  	_ =	shalt  }
0x60: {  	_ =	shalt  }
0x61: {  	_ =	shalt  }
0x62: {  	_ =	shalt  }
0x63: {  	_ =	shalt  }
0x64: {  	_ =	shalt  }
0x65: {  	_ =	shalt  }
0x66: {  	_ =	shalt  }
0x67: {  	_ =	shalt  }
0x68: {  	_ =	shalt  }
0x69: {  	_ =	shalt  }
0x6a: {  	_ =	shalt  }
0x6b: {  	_ =	shalt  }
0x6c: {  	_ =	shalt  }
0x6d: {  	_ =	shalt  }
0x6e: {  	_ =	shalt  }
0x6f: {  	_ =	shalt  }
0x70: {  	_ =	shalt  }
0x71: {  	_ =	shalt  }
0x72: {  	_ =	shalt  }
0x73: {  	_ =	shalt  }
0x74: {  	_ =	shalt  }
0x75: {  	_ =	shalt  }
0x76: {  	_ =	shalt  }
0x77: {  	_ =	shalt  }
0x78: {  	_ =	shalt  }
0x79: {  	_ =	shalt  }
0x7a: {  	_ =	shalt  }
0x7b: {  	_ =	shalt  }
0x7c: {  	_ =	shalt  }
0x7d: {  	_ =	shalt  }
0x7e: {  	_ =	shalt  }
0x7f: {  	_ =	shalt  }
0x80: {  	_ =	shalt  }
0x81: {  	_ =	shalt  }
0x82: {  	_ =	shalt  }
0x83: {  	_ =	shalt  }
0x84: {  	_ =	shalt  }
0x85: {  	_ =	shalt  }
0x86: {  	_ =	shalt  }
0x87: {  	_ =	shalt  }
.Lfunc_end0:
.L_simem_size_0:
called_computation.1_lowered:
.L_overlay_start_0:
0x88: {  	s2 =	sld [smem:$0x3FD9]  }
0x89: {  	s3 =	sld [smem:$0x3FFE];
	_ =	sdelay $0x1  }
0x8a: {  	s1 =	srdreg.scid  }
0x8b: {  	s0 =	sand.u32 $0x1, s1  }
0x8c: {  	s14 =	sshll.u32 s0, $0xA;
	s2 =	sadd.s32 s3, s2  }
0x8d: {  	s2 =	sadd.s32 s2, s14  }
0x8e: {  	[smem:$0x3FC5] =	sst s2  }
0x8f: {  	_ = 	snop  }
0x90: {  	s2 =	sld [smem:$0x3FD0];
	_ =	sdelay $0x2  }
0x91: {  	s15 =	simm.s32 $0xA;
	s4 =	simm.s32 $0x10  }
0x92: {  	[smem:s4], [sflag:s15] =	dma.local [hbm:s2], $0x1  }
0x93: {  	_ =	swait.eq [sflag:s15], $0x1  }
0x94: {  	s16 =	sld [smem:$0x10]  }
0x95: {  	s17 =	sld [smem:$0x11];
	[sflag:s15] =	ssyncset.done $0x0  }
0x96: {  	s5 =	sld [smem:$0x12];
	[sflag:s15] =	ssyncadd.s32 $0xFFFFFFFF  }
0x97: {  	s18 =	sld [smem:$0x13];
	(tm) =	ssettm $0x1  }
0x98: {  	s6 =	sld [smem:$0x3FFB];
	_ =	sdelay $0x3  }
0x99: {  	_ =	strace s6  }
0x9a: {  	s6 =	sld [smem:$0x3FFC];
	_ =	sdelay $0x3  }
0x9b: {  	_ =	strace s6  }
0x9c: {  	s6 =	sld [smem:$0x3FFD];
	_ =	sdelay $0x3  }
0x9d: {  	_ =	strace s6  }
0x9e: {  	_ =	strace $0x8FFFFFFF  }
0x9f: {  	s19 =	sld [smem:$0x3FDB];
	_ =	sdelay $0x1  }
0xa0: {  	s7 =	simm.s32 $_scs_section_size  }
0xa1: {  	s8 =	simm.s32 $_size__tile_overlayer_lowered;
	s9 =	simm.s32 $_tile_overlayer_lowered  }
0xa2: {  	s22 =	simm.s32 $0x1BFF;
	s21 =	sshll.u32 s9, $0x1;
	s6 =	sadd.s32 s7, s19  }
0xa3: {  	s10 =	simm.s32 $0x0;
	s20 =	sshll.u32 s8, $0x1;
	s8 =	sadd.s32 s21, s6  }
0xa4: {  	[timem:s10], [sflag:s22] =	dma.local [hbm:s8], s20  }
0xa5: {  	_ =	swait.ge [sflag:s22], s20  }
0xa6: {  	s7 =	ssub.s32 $0x0, s20;
	[sflag:s22] =	ssyncset.done $0x0  }
0xa7: {  	[sflag:s22] =	ssyncadd.s32 s7;
	_ =	sdelay $0x1  }
0xa8: {  	s23 =	simm.s32 $0x1B8B  }
0xa9: {  	_ =	swait.ge [sflag:s23], $0x1  }
0xaa: {  	[sflag:s23] =	ssyncset.done $0x0  }
0xab: {  	s25 =	simm.s32 $0x1B8E;
	s24 =	sld [smem:$0x3FFE];
	[sflag:s23] =	ssyncadd.s32 $0xFFFFFFFF  }
0xac: {  	s26 =	simm.s32 $execute0_lowered;
	[smem:$0x3FD2] =	sst s25  }
0xad: {  	s8 =	sshll.u32 s26, $0x1;
	_ =	strace $0x80000049;
	[dreg:$0x1] =	wrdreg $0xFFFFFFFF  }
0xae: {  	s28 =	simm.s32 $_size_execute0_lowered;
	s6 =	sadd.s32 s6, s8;
	[dreg:$0x0] =	wrdreg $0x0  }
0xaf: {  	s8 =	sshll.u32 s28, $0x1;
	[dreg:$0x2] =	wrdreg s6  }
0xb0: {  	[dreg:$0x3] =	wrdreg s8  }
0xb1: {  	[dreg:$0x4] =	wrdreg $0xC0  }
0xb2: {  	_ =	task [dreg:s10], $0x5FFFF  }
0xb3: {  	[dreg:$0x1] =	wrdreg $0xFFFFFFFF  }
0xb4: {  	[dreg:$0x0] =	wrdreg $0x60  }
0xb5: {  	[dreg:$0x2] =	wrdreg s17  }
0xb6: {  	[dreg:$0x3] =	wrdreg s5  }
0xb7: {  	[dreg:$0x4] =	wrdreg s24  }
0xb8: {  	[dreg:$0x5] =	wrdreg s18  }
0xb9: {  	[dreg:$0x6] =	wrdreg s16  }
0xba: {  	[dreg:$0x7] =	wrdreg $0x9  }
0xbb: {  	_ =	task.clear_ibuf [dreg:s10], $0x8FFFF;
	_ =	strace $0x90000049  }
0xbc: {  	s29 =	simm.s32 $0x9;
	_ =	strace $0x8000004B  }
0xbd: {  	_ =	swait.ge [sflag:s29], $0x1  }
0xbe: {  	[sflag:s29] =	ssyncadd.s32 $0xFFFFFFFF  }
0xbf: {  	_ =	strace $0x9000004B  }
0xc0: {  	_ =	sfence  }
0xc1: {  	s30 =	sld [smem:$0x0];
	_ =	sdelay $0x2  }
0xc2: {  	s31 =	sshll.u32 s1, $0xD;
	s1 =	sshrl.u32 s1, $0x2  }
0xc3: {  	s3 =	sand.u32 $0x4000, s31;
	s1 =	sadd.s32 s1, s30  }
0xc4: {  	s0 =	sor.u32 s3, s0;
	s1 =	sshll.u32 s1, $0x11  }
0xc5: {  	s0 =	sor.u32 s1, s0  }
0xc6: {  	s0 =	sadd.s32 $0x8F2B, s0  }
0xc7: {  	[sflag:s0] =	ssyncadd.remote.s32 $0x1  }
0xc8: {  	_ =	sfence.sel $0xFFFF  }
0xc9: {  	[dreg:$0x0] =	wrdreg $0xFFFFFFFF;
	(pc) =	sbr.abs _section_cstart, $3  }
0xca: {  	[dreg:$0x1] =	wrdreg $0xFFFFFFFF  }
0xcb: {  	_ =	task.clear_ibuf [dreg:s10], $0x2FFFF;
	_ =	strace $0x9FFFFFFF  }
0xcc: {  	(tm) =	ssettm $0x7FFFFFFF  }
0xcd: {  	_ =	shalt  }
tec
execute0_lowered:
.L_overlay_start_1:
0x0: {  	(tag) =	ssettag $0x1  }
0x1: {  	s3 =	rddreg [dreg:$0x0];
	s1 =	stileid.u32  }
0x2: {  	s4 =	rddreg [dreg:$0x1];
	p0 =	sgt.u32 s1, $0x1  }
.Ltmp0:
0x3: {  	s5 =	rddreg [dreg:$0x2];
	(pc) =	sbr.rel @p0 .LBB2_18-.Ltmp0, $4  }
0x4: {  	s6 =	rddreg [dreg:$0x3]  }
0x5: {  	s8 =	rddreg [dreg:$0x4];
	s2 =	simm.s32 $0x0  }
0x6: {  	[smem:$0x7FF] =	sst s2  }
0x7: {  	s0 =	rddreg [dreg:$0x5];
	_ =	strace $0x8000004A  }
0x8: {  	s7 =	srdreg.scid  }
0x9: {  	s30 =	sshll.u32 s1, $0x1;
	s10 =	sand.u32 $0x1, s7  }
0xa: {  	s14 =	sadd.s32 $0x2C00, s5;
	s18 =	simm.s32 $0x9E80;
	s13 =	sor.u32 s10, s30  }
0xb: {  	s19 =	simm.s32 $0xED00;
	s20 =	simm.s32 $0x13B80;
	s7 =	smul.u32 $0x9C6, s13  }
0xc: {  	s21 =	simm.s32 $0x0;
	s16 =	ssub.s32 $0x2, s10;
	s9 =	smul.u32 $0x9C4, s13  }
0xd: {  	s11 =	smul.u32 $0x500, s13;
	s17 =	sshrl.u32 s16, $0x1;
	s31 =	sshll.u32 s13, $0x1  }
0xe: {  	s16 =	ssub.s32 s16, s17;
	s14 =	sadd.s32 s14, s31;
	s17 =	simm.s32 $0x1  }
0xf: {  	s7 =	sadd.s32 s7, s5;
	s15 =	sadd.s32 s9, s5;
	s3 =	sadd.s32 s3, s11  }
0x10: {  	s4 =	sadd.s32 s4, s11;
	s6 =	sadd.s32 s6, s9;
	s8 =	sadd.s32 s8, s9  }
0x11: {  	s5 =	sadd.s32 $0x400, s7;
	s7 =	sadd.s32 $0x7E00, s15;
	s9 =	sadd.s32 $0xA600, s15  }
0x12: {  	s10 =	sadd.s32 $0x2E00, s15;
	s11 =	sadd.s32 $0xCE00, s15;
	s12 =	sadd.s32 $0x5600, s15  }
0x13: {  	v0 =	vimm.s32 $0x0;
	vm0 =	vmmov $0x1;
	v1 =	vlaneseq.u32;
	s13 =	sadd.s32 $0xF600, s15;
	s15 =	smax.u32 s16, $0x1;
	s16 =	simm.s32 $0x18A00  }
.LBB2_2:
0x14: {  	s22 =	simm.s32 $0x0  }
0x15: {  	[tilespmem:s16], [sflag:$0x1] =	stream.linear.gather [hbm4b:s14+s22], $0x10, $0x38;
	[tilespmem:$0x18A80] =	vst v63  }
0x16: {  	_ =	swait.ge [sflag:s17], $0x10  }
0x17: {  	[sflag:s17] =	ssyncset.done $0x0  }
0x18: {  	[sflag:s17] =	ssyncadd.s32 $0xFFFFFFF0  }
0x19: {  	s23 =	simm.s32 $0x0;
	s22 =	simm.s32 $0x40;
	v2 =	vld [tilespmem:$0x18A00]  }
.LBB2_3:
0x1a: {  	p0 =	sne.s32 s22, $0x13880;
	[tilespmem:s23+$0x0] =	vst v0;
	s23 =	smov.u32 s22;
	s22 =	sadd.s32 $0x40, s22  }
.Ltmp1:
0x1b: {  	(pc) =	sbr.rel @p0 .LBB2_3-.Ltmp1, $2  }
0x1c: {  	_ =	sdelay $0x2  }
0x1d: {  	s23 =	sshra.s32 s23, $0x2  }
0x1e: {  	v2 =	vnsel vm0, $0x0, v2  }
0x1f: {  	v2 =	vxor.u32 $0x80000000, v2  }
0x20: {  	(xrf0) =	vmax.scan.msk.u32 $0xffff, v2;
	_ =	sdelay $0x5  }
0x21: {  	v2, _, _ =	vpop (xrf0)  }
0x22: {  	(v2sf) =	vpush v2, $0xF;
	_ =	sdelay $0xc  }
0x23: {  	[tilespmem:s23+$0x0] =	vst v0;
	s24 =	simm.s32 $0x0;
	s23 =	simm.s32 $0x7680  }
0x24: {  	[tilespmem:s23], [sflag:$0x1] =	stream.linear.gather [hbm4b:s3+s24], $0x2800, $0x38;
	[tilespmem:$0x18A80] =	vst v63  }
0x25: {  	s22 =	spop (v2sf)  }
0x26: {  	_ =	swait.ge [sflag:s17], $0x2800  }
0x27: {  	[sflag:s17] =	ssyncset.done $0x0  }
0x28: {  	s25 =	simm.s32 $0x4E80;
	[sflag:s17] =	ssyncadd.s32 $0xFFFFD800  }
0x29: {  	[tilespmem:s25], [sflag:$0x1] =	stream.linear.gather [hbm4b:s4+s24], $0x2800, $0x38;
	[tilespmem:$0x18A80] =	vst v63  }
0x2a: {  	_ =	swait.ge [sflag:s17], $0x2800  }
0x2b: {  	[sflag:s17] =	ssyncset.done $0x0  }
0x2c: {  	[sflag:s17] =	ssyncadd.s32 $0xFFFFD800  }
0x2d: {  	[tilespmem:s18], [sflag:$0x1] =	stream.linear.gather [hbm4b:s5+s24], $0x4E30, $0x38;
	[tilespmem:$0x18A80] =	vst v63  }
0x2e: {  	_ =	swait.ge [sflag:s17], $0x4E30  }
0x2f: {  	[sflag:s17] =	ssyncset.done $0x0  }
0x30: {  	[sflag:s17] =	ssyncadd.s32 $0xFFFFB1D0  }
0x31: {  	v2 =	vld [tilespmem:s25+$0x0];
	_ =	sdelay $0x2  }
0x32: {  	s22 =	sxor.u32 $0x80000000, s22  }
0x33: {  	v4 =	vor.u32 s24, v1;
	v3 =	vmov s22  }
0x34: {  	vm1 =	vlt.s32 v4, v3;
	vm2 =	vlt.s32 v2, $0x2710  }
0x35: {  	vm1 =	vmand vm1, vm2  }
0x36: {  	v4 =	vld [tilespmem:s23+$0x0];
	_ =	sdelay $0x4  }
0x37: {  	s25 =	simm.s32 $0x4E90;
	[tilespmem:v2+s2+$0x0] =	vst.idx.msk vm1, v4  }
0x38: {  	s26 =	simm.s32 $0x20;
	s24 =	simm.s32 $0x10;
	v2 =	vld [tilespmem:s25+$0x0]  }
.LBB2_5:
0x39: {  	p0 =	sne.s32 s26, $0x27F0;
	_ =	sdelay $0x2  }
0x3a: {  	v4 =	vor.u32 s24, v1;
	s24 =	smov.u32 s26  }
0x3b: {  	vm1 =	vlt.s32 v4, v3;
	vm2 =	vlt.s32 v2, $0x2710  }
0x3c: {  	s23 =	sadd.s32 $0x10, s23;
	vm1 =	vmand vm1, vm2  }
0x3d: {  	v4 =	vld [tilespmem:s23+$0x0];
	_ =	sdelay $0x1  }
.Ltmp2:
0x3e: {  	(pc) =	sbr.rel @p0 .LBB2_5-.Ltmp2, $3  }
0x3f: {  	_ =	sdelay $0x1  }
0x40: {  	s25 =	sadd.s32 $0x10, s25;
	[tilespmem:v2+s2+$0x0] =	vst.idx.msk vm1, v4  }
0x41: {  	s26 =	sadd.s32 $0x10, s26;
	v2 =	vld [tilespmem:s25+$0x0]  }
0x42: {  	p0 =	slt.s32 s22, $0x2710  }
0x43: {  	s22 =	simm.s32 @!p0 $0x2710  }
0x44: {  	s29 =	ssub.s32 $0x4E2F, s22  }
0x45: {  	s25 =	sand.u32 $0xF, s29  }
0x46: {  	s30 =	sshra.s32 s29, $0x1F;
	p1 =	slt.s32 s29, $0x0;
	p6 =	sne.s32 s25, $0x0  }
0x47: {  	v4 =	vor.u32 s24, v1;
	s23 =	sadd.s32 $0x10, s23;
	s31 =	sshrl.u32 s30, $0x1C;
	p0 =	por !p1, !p6  }
0x48: {  	s24 =	simm.s32 $0x1;
	vm1 =	vlt.s32 v4, v3;
	v3 =	vld [tilespmem:s23+$0x0];
	s23 =	sadd.s32 s31, s29;
	p0 =	por !p0, !p0  }
0x49: {  	vm2 =	vlt.s32 v2, $0x2710;
	s23 =	sshra.s32 s23, $0x4;
	s24 =	simm.s32 @!p0 $0x0  }
0x4a: {  	vm1 =	vmand vm1, vm2;
	s23 =	ssub.s32 s23, s24  }
0x4b: {  	p0 =	slt.s32 s23, $0x1  }
.Ltmp3:
0x4c: {  	_ = 	snop;
	(pc) =	sbr.rel @p0 .LBB2_9-.Ltmp3, $2  }
0x4d: {  	_ =	sdelay $0x2  }
0x4e: {  	[tilespmem:v2+s2+$0x0] =	vst.idx.msk vm1, v3  }
0x4f: {  	s24 =	simm.s32 $0x9E80  }
0x50: {  	p0 =	sne.s32 s23, $0x1;
	v2 =	vld [tilespmem:s24+$0x0]  }
.Ltmp4:
0x51: {  	_ = 	snop;
	(pc) =	sbr.rel @!p0 .LBB2_9-.Ltmp4, $2  }
0x52: {  	_ =	sdelay $0x2  }
0x53: {  	s23 =	sadd.s32 $0xFFFFFFFF, s23;
	s24 =	simm.s32 $0x9E90;
	[tilespmem:s22+$0x0] =	vst v2  }
.LBB2_8:
0x54: {  	v2 =	vld [tilespmem:s24+$0x0];
	p0 =	sne.s32 s23, $0x1;
	s23 =	sadd.s32 $0xFFFFFFFF, s23  }
.Ltmp5:
0x55: {  	(pc) =	sbr.rel @p0 .LBB2_8-.Ltmp5, $3  }
0x56: {  	_ =	sdelay $0x1  }
0x57: {  	s22 =	sadd.s32 $0x10, s22  }
0x58: {  	s24 =	sadd.s32 $0x10, s24;
	[tilespmem:s22+$0x0] =	vst v2  }
.LBB2_9:
0x59: {  	s22 =	simm.s32 $0x0  }
0x5a: {  	[tilespmem:s19], [sflag:$0x1] =	stream.linear.gather [hbm4b:s6+s22], $0x4E20, $0x38;
	[tilespmem:$0x18A80] =	vst v63  }
0x5b: {  	_ =	swait.ge [sflag:s17], $0x4E20  }
0x5c: {  	[sflag:s17] =	ssyncset.done $0x0  }
0x5d: {  	s23 =	simm.s32 $0x0;
	[sflag:s17] =	ssyncadd.s32 $0xFFFFB1E0  }
0x5e: {  	v2 =	vld [tilespmem:s23+$0x0];
	_ =	sdelay $0x4  }
0x5f: {  	s22 =	simm.s32 $0x10;
	v2 =	vshrl.u32 v2, $0x4  }
0x60: {  	v4 =	vld [tilespmem:s22+$0x0];
	_ =	sdelay $0x3  }
0x61: {  	v3 =	vld.idx.msk [tilespmem:v2+s19+$0x0], $0xffff  }
0x62: {  	v2 =	vshrl.u32 v4, $0x4  }
0x63: {  	s24 =	simm.s32 $0x20;
	s25 =	simm.s32 $0xC0  }
.LBB2_10:
0x64: {  	p0 =	sne.s32 s25, $0x13840;
	v4 =	vld [tilespmem:s24+$0x0];
	_ =	sdelay $0x1  }
.Ltmp6:
0x65: {  	[tilespmem:s23+$0x13B80] =	vst v3;
	s23 =	smov.u32 s22;
	s22 =	smov.u32 s24;
	(pc) =	sbr.rel @p0 .LBB2_10-.Ltmp6, $3  }
0x66: {  	v3 =	vld.idx.msk [tilespmem:v2+s19+$0x0], $0xffff;
	_ =	sdelay $0x1  }
0x67: {  	v2 =	vshrl.u32 v4, $0x4  }
0x68: {  	s24 =	sshra.s32 s25, $0x2;
	s25 =	sadd.s32 $0x40, s25  }
0x69: {  	v4 =	vld [tilespmem:s24+$0x0];
	_ =	sdelay $0x2  }
0x6a: {  	[tilespmem:s23+$0x13B80] =	vst v3  }
0x6b: {  	v2 =	vld.idx.msk [tilespmem:v2+s19+$0x0], $0xffff  }
0x6c: {  	v3 =	vshrl.u32 v4, $0x4;
	_ =	sdelay $0x3  }
0x6d: {  	[tilespmem:s22+$0x13B80] =	vst v2  }
0x6e: {  	v2 =	vld.idx.msk [tilespmem:v3+s19+$0x0], $0xffff;
	_ =	sdelay $0x4  }
0x6f: {  	s31 =	simm.s32 $0x0;
	[tilespmem:s24+$0x13B80] =	vst v2  }
0x70: {  	[hbm4b:s7+s31] =	stream.linear.scatter [tilespmem:s20], [sflag:$0x1], $0x4E20, $0x38;
	[tilespmem:$0x18A80] =	vst v63  }
0x71: {  	_ =	swait.ge [sflag:s17], $0x4E20  }
0x72: {  	[sflag:s17] =	ssyncset.done $0x0  }
0x73: {  	[sflag:s17] =	ssyncadd.s32 $0xFFFFB1E0  }
0x74: {  	[tilespmem:s19], [sflag:$0x1] =	stream.linear.gather [hbm4b:s8+s31], $0x4E20, $0x38;
	[tilespmem:$0x18A80] =	vst v63  }
0x75: {  	_ =	swait.ge [sflag:s17], $0x4E20  }
0x76: {  	[sflag:s17] =	ssyncset.done $0x0  }
0x77: {  	s23 =	simm.s32 $0x0;
	[sflag:s17] =	ssyncadd.s32 $0xFFFFB1E0  }
0x78: {  	v2 =	vld [tilespmem:s23+$0x0];
	_ =	sdelay $0x4  }
0x79: {  	s22 =	simm.s32 $0x10;
	v2 =	vshrl.u32 v2, $0x4  }
0x7a: {  	v4 =	vld [tilespmem:s22+$0x0];
	_ =	sdelay $0x3  }
0x7b: {  	v3 =	vld.idx.msk [tilespmem:v2+s19+$0x0], $0xffff  }
0x7c: {  	v2 =	vshrl.u32 v4, $0x4  }
0x7d: {  	s25 =	simm.s32 $0xC0;
	s24 =	simm.s32 $0x20  }
.LBB2_12:
0x7e: {  	p0 =	sne.s32 s25, $0x13840;
	v4 =	vld [tilespmem:s24+$0x0];
	_ =	sdelay $0x1  }
.Ltmp7:
0x7f: {  	[tilespmem:s23+$0x13B80] =	vst v3;
	s23 =	smov.u32 s22;
	s22 =	smov.u32 s24;
	(pc) =	sbr.rel @p0 .LBB2_12-.Ltmp7, $3  }
0x80: {  	v3 =	vld.idx.msk [tilespmem:v2+s19+$0x0], $0xffff;
	_ =	sdelay $0x1  }
0x81: {  	v2 =	vshrl.u32 v4, $0x4  }
0x82: {  	s24 =	sshra.s32 s25, $0x2;
	s25 =	sadd.s32 $0x40, s25  }
0x83: {  	v4 =	vld [tilespmem:s24+$0x0];
	_ =	sdelay $0x2  }
0x84: {  	[tilespmem:s23+$0x13B80] =	vst v3  }
0x85: {  	v2 =	vld.idx.msk [tilespmem:v2+s19+$0x0], $0xffff  }
0x86: {  	v3 =	vshrl.u32 v4, $0x4;
	_ =	sdelay $0x3  }
0x87: {  	[tilespmem:s22+$0x13B80] =	vst v2  }
0x88: {  	v2 =	vld.idx.msk [tilespmem:v3+s19+$0x0], $0xffff;
	_ =	sdelay $0x4  }
0x89: {  	s31 =	simm.s32 $0x0;
	[tilespmem:s24+$0x13B80] =	vst v2  }
0x8a: {  	[hbm4b:s9+s31] =	stream.linear.scatter [tilespmem:s20], [sflag:$0x1], $0x4E20, $0x38;
	[tilespmem:$0x18A80] =	vst v63  }
0x8b: {  	_ =	swait.ge [sflag:s17], $0x4E20  }
0x8c: {  	[sflag:s17] =	ssyncset.done $0x0  }
0x8d: {  	[sflag:s17] =	ssyncadd.s32 $0xFFFFB1E0  }
0x8e: {  	[tilespmem:s19], [sflag:$0x1] =	stream.linear.gather [hbm4b:s10+s31], $0x4E20, $0x38;
	[tilespmem:$0x18A80] =	vst v63  }
0x8f: {  	_ =	swait.ge [sflag:s17], $0x4E20  }
0x90: {  	[sflag:s17] =	ssyncset.done $0x0  }
0x91: {  	s23 =	simm.s32 $0x0;
	[sflag:s17] =	ssyncadd.s32 $0xFFFFB1E0  }
0x92: {  	v2 =	vld [tilespmem:s23+$0x0];
	_ =	sdelay $0x4  }
0x93: {  	s22 =	simm.s32 $0x10;
	v2 =	vshrl.u32 v2, $0x4  }
0x94: {  	v4 =	vld [tilespmem:s22+$0x0];
	_ =	sdelay $0x3  }
0x95: {  	v3 =	vld.idx.msk [tilespmem:v2+s19+$0x0], $0xffff  }
0x96: {  	v2 =	vshrl.u32 v4, $0x4  }
0x97: {  	s25 =	simm.s32 $0xC0;
	s24 =	simm.s32 $0x20  }
.LBB2_14:
0x98: {  	p0 =	sne.s32 s25, $0x13840;
	v4 =	vld [tilespmem:s24+$0x0];
	_ =	sdelay $0x1  }
.Ltmp8:
0x99: {  	[tilespmem:s23+$0x13B80] =	vst v3;
	s23 =	smov.u32 s22;
	s22 =	smov.u32 s24;
	(pc) =	sbr.rel @p0 .LBB2_14-.Ltmp8, $3  }
0x9a: {  	v3 =	vld.idx.msk [tilespmem:v2+s19+$0x0], $0xffff;
	_ =	sdelay $0x1  }
0x9b: {  	v2 =	vshrl.u32 v4, $0x4  }
0x9c: {  	s24 =	sshra.s32 s25, $0x2;
	s25 =	sadd.s32 $0x40, s25  }
0x9d: {  	v4 =	vld [tilespmem:s24+$0x0];
	_ =	sdelay $0x2  }
0x9e: {  	[tilespmem:s23+$0x13B80] =	vst v3  }
0x9f: {  	v2 =	vld.idx.msk [tilespmem:v2+s19+$0x0], $0xffff  }
0xa0: {  	v3 =	vshrl.u32 v4, $0x4;
	_ =	sdelay $0x3  }
0xa1: {  	[tilespmem:s22+$0x13B80] =	vst v2  }
0xa2: {  	v2 =	vld.idx.msk [tilespmem:v3+s19+$0x0], $0xffff;
	_ =	sdelay $0x4  }
0xa3: {  	s31 =	simm.s32 $0x0;
	[tilespmem:s24+$0x13B80] =	vst v2  }
0xa4: {  	[hbm4b:s11+s31] =	stream.linear.scatter [tilespmem:s20], [sflag:$0x1], $0x4E20, $0x38;
	[tilespmem:$0x18A80] =	vst v63  }
0xa5: {  	_ =	swait.ge [sflag:s17], $0x4E20  }
0xa6: {  	[sflag:s17] =	ssyncset.done $0x0  }
0xa7: {  	[sflag:s17] =	ssyncadd.s32 $0xFFFFB1E0  }
0xa8: {  	[tilespmem:s19], [sflag:$0x1] =	stream.linear.gather [hbm4b:s12+s31], $0x4E20, $0x38;
	[tilespmem:$0x18A80] =	vst v63  }
0xa9: {  	_ =	swait.ge [sflag:s17], $0x4E20  }
0xaa: {  	[sflag:s17] =	ssyncset.done $0x0  }
0xab: {  	s23 =	simm.s32 $0x0;
	[sflag:s17] =	ssyncadd.s32 $0xFFFFB1E0  }
0xac: {  	v2 =	vld [tilespmem:s23+$0x0];
	_ =	sdelay $0x4  }
0xad: {  	s22 =	simm.s32 $0x10;
	v2 =	vshrl.u32 v2, $0x4  }
0xae: {  	v4 =	vld [tilespmem:s22+$0x0];
	_ =	sdelay $0x3  }
0xaf: {  	v3 =	vld.idx.msk [tilespmem:v2+s19+$0x0], $0xffff  }
0xb0: {  	v2 =	vshrl.u32 v4, $0x4  }
0xb1: {  	s25 =	simm.s32 $0xC0;
	s24 =	simm.s32 $0x20  }
.LBB2_16:
0xb2: {  	p0 =	sne.s32 s25, $0x13840;
	v4 =	vld [tilespmem:s24+$0x0];
	_ =	sdelay $0x1  }
.Ltmp9:
0xb3: {  	[tilespmem:s23+$0x13B80] =	vst v3;
	s23 =	smov.u32 s22;
	s22 =	smov.u32 s24;
	(pc) =	sbr.rel @p0 .LBB2_16-.Ltmp9, $3  }
0xb4: {  	v3 =	vld.idx.msk [tilespmem:v2+s19+$0x0], $0xffff;
	_ =	sdelay $0x1  }
0xb5: {  	v2 =	vshrl.u32 v4, $0x4  }
0xb6: {  	s24 =	sshra.s32 s25, $0x2;
	s25 =	sadd.s32 $0x40, s25  }
0xb7: {  	v4 =	vld [tilespmem:s24+$0x0];
	_ =	sdelay $0x2  }
0xb8: {  	[tilespmem:s23+$0x13B80] =	vst v3  }
0xb9: {  	v2 =	vld.idx.msk [tilespmem:v2+s19+$0x0], $0xffff  }
0xba: {  	v3 =	vshrl.u32 v4, $0x4;
	_ =	sdelay $0x3  }
0xbb: {  	[tilespmem:s22+$0x13B80] =	vst v2  }
0xbc: {  	v2 =	vld.idx.msk [tilespmem:v3+s19+$0x0], $0xffff;
	_ =	sdelay $0x2  }
0xbd: {  	s21 =	sadd.s32 $0x1, s21  }
0xbe: {  	p0 =	sne.s32 s21, s15  }
.Ltmp10:
0xbf: {  	[tilespmem:s24+$0x13B80] =	vst v2;
	(pc) =	sbr.rel @p0 .LBB2_2-.Ltmp10, $4  }
0xc0: {  	[hbm4b:s13+s2] =	stream.linear.scatter [tilespmem:s20], [sflag:$0x1], $0x4E20, $0x38;
	[tilespmem:$0x18A80] =	vst v63  }
0xc1: {  	_ =	swait.ge [sflag:s17], $0x4E20  }
0xc2: {  	[sflag:s17] =	ssyncset.done $0x0  }
0xc3: {  	[sflag:s17] =	ssyncadd.s32 $0xFFFFB1E0  }
.LBB2_18:
0xc4: {  	_ =	sfence.sel $0x180000  }
0xc5: {  	[bflag:$0x0] =	sbarrier.arrive $0xFFFF  }
0xc6: {  	p0 =	sne.s32 s1, $0x0;
	_ =	strace $0x9000004A  }
0xc7: {  	s0 =	sadd.s32 @!p0 $0x100000, s0;
	[bflag:$0x2] =	sbarrier.arrive $0xFFFF  }
0xc8: {  	[sflag:s0] =	ssyncadd.tile.s32 @!p0 $0x1;
	_ =	shalt  }
.Lfunc_end2:
_tile_overlayer_lowered:
.L_overlay_start_2:
0xc9: {  	(tag) =	ssettag $0x2  }
0xca: {  	s0 =	rddreg [dreg:$0x0];
	s2 =	stileid.u32  }
0xcb: {  	s1 =	rddreg [dreg:$0x1];
	p0 =	sne.s32 s2, $0x0  }
0xcc: {  	s3 =	rddreg [dreg:$0x2];
	[bflag:$0x3] =	sbarrier.arrive $0xFFFF;
	s2 =	simm.s32 @!p0 $0x1C01  }
0xcd: {  	[timem:s3], [sflag:s2] =	dma.local @!p0 [hbm:s0], s1  }
0xce: {  	s0 =	simm.s32 @!p0 $0x1  }
0xcf: {  	_ =	swait.ge @!p0 [sflag:s0], s1  }
0xd0: {  	s1 =	ssub.s32 @!p0 $0x0, s1;
	[sflag:s0] =	ssyncset.done @!p0 $0x0  }
0xd1: {  	[sflag:s0] =	ssyncadd.s32 @!p0 s1  }
0xd2: {  	[bflag:$0x3] =	sbarrier.arrive $0xFFFF  }
0xd3: {  	_ =	shalt  }

// kernel: kernel.7.cloned.1.call-start
scs
__scs_entry_jumppad:
0x0: {  	(pc) =	sbr.rel $0x88, $3  }
0x1: {  	(tag) =	ssettag $0x0;
	lr =	simm.s32 $0x1  }
0x2: {  	[smem:$0x3F9E] =	sst lr;
	_ =	strace $0xD0000000  }
0x3: {  	_ = 	snop  }
0x4: {  	_ = 	snop  }
0x5: {  	_ = 	snop  }
0x6: {  	_ = 	snop  }
0x7: {  	_ = 	snop  }
__scs_overlays_trampoline_lowered:
0x8: {  	[smem:$0x3FAD] =	sst s0  }
0x9: {  	[smem:$0x3FAE] =	sst s1  }
0xa: {  	[smem:$0x3FAF] =	sst s2  }
0xb: {  	[smem:$0x3FB0] =	sst s3  }
0xc: {  	[smem:$0x3FB1] =	sst s4  }
0xd: {  	[smem:$0x3FB2] =	sst s5  }
0xe: {  	[smem:$0x3FB3] =	sst s6  }
0xf: {  	[smem:$0x3FB4] =	sst s7  }
0x10: {  	[smem:$0x3FB5] =	sst s8  }
0x11: {  	[smem:$0x3FB6] =	sst s9;
	s0 =	simm.s32 @!p0 $0x0  }
0x12: {  	s1 =	sld [smem:$0x3F9C];
	s0 =	simm.s32 @p0 $0x1  }
0x13: {  	[smem:$0x3FB7] =	sst s0;
	s0 =	simm.s32 @!p1 $0x0  }
0x14: {  	s2 =	sld [smem:$0x3F9B];
	s0 =	simm.s32 @p1 $0x1  }
0x15: {  	[smem:$0x3FB8] =	sst s0;
	s0 =	simm.s32 @!p2 $0x0  }
0x16: {  	s3 =	sld [smem:$0x3FDB];
	s0 =	simm.s32 @p2 $0x1  }
0x17: {  	s4 =	simm.s32 $0x1BF5;
	[smem:$0x3FBA] =	sst s0  }
0x18: {  	s0 =	sld [smem:$0x3F9D];
	_ =	swait.ge [sflag:s4], $0x0  }
0x19: {  	s7 =	sld [smem:$0x3F9E]  }
0x1a: {  	s8 =	sadd.s32 $0xFFFFE003, lr  }
0x1b: {  	s9 =	sadd.s32 $0xFFFFFEF7, lr;
	s5 =	simm.s32 $0xFFFFFFFF;
	p2 =	slt.u32 s8, $0xFFFFF086  }
0x1c: {  	p1 =	slt.u32 s9, $0xF7A;
	s5 =	simm.s32 @!p2 $0x0  }
0x1d: {  	s5 =	simm.s32 @p1 $0x1;
	p0 =	seq.s32 s7, s2  }
0x1e: {  	s7 =	smul.u32 @!p0 $0xF7A, s2;
	p2 =	seq.s32 @!p0 s5, $0x0  }
0x1f: {  	s9 =	smul.u32 $0xF7A, s1;
	s8 =	simm.s32 @!p0 $0x1BF5;
	p2 =	por !p2, p0  }
0x20: {  	[sflag:s8] =	ssyncset.s32 @!p0 $0xFFFFF086;
	s6 =	sadd.s32 @!p0 s3, s7;
	s7 =	simm.s32 @!p0 $0x108  }
0x21: {  	s3 =	sadd.s32 s3, s9;
	s6 =	sadd.s32 @!p0 $0x88, s6;
	s7 =	simm.s32 @p2 $0x1082  }
0x22: {  	[simem:s7], [sflag:s8] =	dma.local @!p0 [hbm:s6], $0xF7A  }
0x23: {  	s9 =	sor.u32 $0xD0000000, s2;
	s6 =	simm.s32 $0x108;
	_ =	swait.ge @!p0 [sflag:s8], $0x0  }
0x24: {  	s3 =	sadd.s32 $0x88, s3;
	s6 =	simm.s32 @!p1 $0x1082;
	[sflag:s4] =	ssyncset.s32 $0xFFFFF086  }
0x25: {  	[simem:s6], [sflag:s4] =	dma.local [hbm:s3], $0xF7A  }
0x26: {  	[smem:$0x3F9E] =	sst s1;
	(tag) =	ssettag s2;
	_ =	strace s9  }
0x27: {  	s1 =	sld [smem:$0x3FAE]  }
0x28: {  	s2 =	sld [smem:$0x3FAF]  }
0x29: {  	s4 =	sld [smem:$0x3FB1]  }
0x2a: {  	p0 =	seq.s32 s5, $0x0;
	s5 =	sld [smem:$0x3FB2]  }
0x2b: {  	s6 =	sld [smem:$0x3FB3]  }
0x2c: {  	s7 =	sld [smem:$0x3FB4]  }
0x2d: {  	s3 =	simm.s32 $0x108;
	s8 =	sld [smem:$0x3FB5]  }
0x2e: {  	s3 =	simm.s32 @!p0 $0x1082;
	s9 =	sld [smem:$0x3FB6]  }
0x2f: {  	lr =	sadd.s32 s0, s3;
	s0 =	sld [smem:$0x3FAD]  }
0x30: {  	s3 =	sld [smem:$0x3FB0]  }
0x31: {  	[smem:$0x3FB9] =	sst s10  }
0x32: {  	s10 =	sld [smem:$0x3FB7];
	_ =	sdelay $0x3  }
0x33: {  	p0 =	seq.s32 s10, $0x1;
	s10 =	sld [smem:$0x3FB9];
	_ =	sdelay $0x3  }
0x34: {  	[smem:$0x3FB9] =	sst s10  }
0x35: {  	s10 =	sld [smem:$0x3FB8];
	_ =	sdelay $0x3  }
0x36: {  	p1 =	seq.s32 s10, $0x1;
	s10 =	sld [smem:$0x3FB9];
	_ =	sdelay $0x3  }
0x37: {  	[smem:$0x3FB9] =	sst s10  }
0x38: {  	s10 =	sld [smem:$0x3FBA]  }
0x39: {  	_ = 	snop;
	(pc) =	sbr.ind lr, $3  }
0x3a: {  	_ = 	snop  }
0x3b: {  	_ = 	snop  }
0x3c: {  	p2 =	seq.s32 s10, $0x1;
	s10 =	sld [smem:$0x3FB9]  }
0x3d: {  	_ =	shalt  }
0x3e: {  	_ =	shalt  }
0x3f: {  	_ =	shalt  }
0x40: {  	_ =	shalt  }
0x41: {  	_ =	shalt  }
0x42: {  	_ =	shalt  }
0x43: {  	_ =	shalt  }
0x44: {  	_ =	shalt  }
0x45: {  	_ =	shalt  }
0x46: {  	_ =	shalt  }
0x47: {  	_ =	shalt  }
0x48: {  	_ =	shalt  }
0x49: {  	_ =	shalt  }
0x4a: {  	_ =	shalt  }
0x4b: {  	_ =	shalt  }
0x4c: {  	_ =	shalt  }
0x4d: {  	_ =	shalt  }
0x4e: {  	_ =	shalt  }
0x4f: {  	_ =	shalt  }
0x50: {  	_ =	shalt  }
0x51: {  	_ =	shalt  }
0x52: {  	_ =	shalt  }
0x53: {  	_ =	shalt  }
0x54: {  	_ =	shalt  }
0x55: {  	_ =	shalt  }
0x56: {  	_ =	shalt  }
0x57: {  	_ =	shalt  }
0x58: {  	_ =	shalt  }
0x59: {  	_ =	shalt  }
0x5a: {  	_ =	shalt  }
0x5b: {  	_ =	shalt  }
0x5c: {  	_ =	shalt  }
0x5d: {  	_ =	shalt  }
0x5e: {  	_ =	shalt  }
0x5f: {  	_ =	shalt  }
0x60: {  	_ =	shalt  }
0x61: {  	_ =	shalt  }
0x62: {  	_ =	shalt  }
0x63: {  	_ =	shalt  }
0x64: {  	_ =	shalt  }
0x65: {  	_ =	shalt  }
0x66: {  	_ =	shalt  }
0x67: {  	_ =	shalt  }
0x68: {  	_ =	shalt  }
0x69: {  	_ =	shalt  }
0x6a: {  	_ =	shalt  }
0x6b: {  	_ =	shalt  }
0x6c: {  	_ =	shalt  }
0x6d: {  	_ =	shalt  }
0x6e: {  	_ =	shalt  }
0x6f: {  	_ =	shalt  }
0x70: {  	_ =	shalt  }
0x71: {  	_ =	shalt  }
0x72: {  	_ =	shalt  }
0x73: {  	_ =	shalt  }
0x74: {  	_ =	shalt  }
0x75: {  	_ =	shalt  }
0x76: {  	_ =	shalt  }
0x77: {  	_ =	shalt  }
0x78: {  	_ =	shalt  }
0x79: {  	_ =	shalt  }
0x7a: {  	_ =	shalt  }
0x7b: {  	_ =	shalt  }
0x7c: {  	_ =	shalt  }
0x7d: {  	_ =	shalt  }
0x7e: {  	_ =	shalt  }
0x7f: {  	_ =	shalt  }
0x80: {  	_ =	shalt  }
0x81: {  	_ =	shalt  }
0x82: {  	_ =	shalt  }
0x83: {  	_ =	shalt  }
0x84: {  	_ =	shalt  }
0x85: {  	_ =	shalt  }
0x86: {  	_ =	shalt  }
0x87: {  	_ =	shalt  }
.Lfunc_end0:
.L_simem_size_0:
called_computation_lowered:
.L_overlay_start_0:
0x88: {  	s2 =	sld [smem:$0x3FD9]  }
0x89: {  	s3 =	sld [smem:$0x3FFE];
	_ =	sdelay $0x1  }
0x8a: {  	s1 =	srdreg.scid  }
0x8b: {  	s0 =	sand.u32 $0x1, s1  }
0x8c: {  	s14 =	sshll.u32 s0, $0xA;
	s2 =	sadd.s32 s3, s2  }
0x8d: {  	s2 =	sadd.s32 s2, s14  }
0x8e: {  	[smem:$0x3FC5] =	sst s2  }
0x8f: {  	_ = 	snop  }
0x90: {  	s2 =	sld [smem:$0x3FD0];
	_ =	sdelay $0x2  }
0x91: {  	s15 =	simm.s32 $0xA;
	s4 =	simm.s32 $0x10  }
0x92: {  	[smem:s4], [sflag:s15] =	dma.local [hbm:s2], $0x1  }
0x93: {  	_ =	swait.eq [sflag:s15], $0x1  }
0x94: {  	[sflag:s15] =	ssyncset.done $0x0  }
0x95: {  	s16 =	sld [smem:$0x11];
	[sflag:s15] =	ssyncadd.s32 $0xFFFFFFFF  }
0x96: {  	s17 =	sld [smem:$0x12];
	(tm) =	ssettm $0x1  }
0x97: {  	s18 =	sld [smem:$0x3FFB];
	_ =	sdelay $0x3  }
0x98: {  	_ =	strace s18  }
0x99: {  	s4 =	sld [smem:$0x3FFC];
	_ =	sdelay $0x3  }
0x9a: {  	_ =	strace s4  }
0x9b: {  	s4 =	sld [smem:$0x3FFD];
	_ =	sdelay $0x3  }
0x9c: {  	_ =	strace s4  }
0x9d: {  	_ =	strace $0x8FFFFFFF  }
0x9e: {  	s19 =	sld [smem:$0x3FDB];
	_ =	sdelay $0x1  }
0x9f: {  	s5 =	simm.s32 $_scs_section_size  }
0xa0: {  	s6 =	simm.s32 $_size__tile_overlayer_lowered;
	s7 =	simm.s32 $_tile_overlayer_lowered  }
0xa1: {  	s22 =	simm.s32 $0x1BFF;
	s21 =	sshll.u32 s7, $0x1;
	s4 =	sadd.s32 s5, s19  }
0xa2: {  	s8 =	simm.s32 $0x0;
	s20 =	sshll.u32 s6, $0x1;
	s6 =	sadd.s32 s21, s4  }
0xa3: {  	[timem:s8], [sflag:s22] =	dma.local [hbm:s6], s20  }
0xa4: {  	_ =	swait.ge [sflag:s22], s20  }
0xa5: {  	s5 =	ssub.s32 $0x0, s20;
	[sflag:s22] =	ssyncset.done $0x0  }
0xa6: {  	[sflag:s22] =	ssyncadd.s32 s5;
	_ =	sdelay $0x1  }
0xa7: {  	s23 =	simm.s32 $0x1B8B  }
0xa8: {  	_ =	swait.ge [sflag:s23], $0x1  }
0xa9: {  	[sflag:s23] =	ssyncset.done $0x0  }
0xaa: {  	s25 =	simm.s32 $0x1B8E;
	s24 =	sld [smem:$0x3FFE];
	[sflag:s23] =	ssyncadd.s32 $0xFFFFFFFF  }
0xab: {  	s26 =	simm.s32 $execute0_lowered;
	[smem:$0x3FD2] =	sst s25  }
0xac: {  	s6 =	sshll.u32 s26, $0x1;
	_ =	strace $0x80000046;
	[dreg:$0x1] =	wrdreg $0xFFFFFFFF  }
0xad: {  	s28 =	simm.s32 $_size_execute0_lowered;
	s4 =	sadd.s32 s4, s6;
	[dreg:$0x0] =	wrdreg $0x0  }
0xae: {  	s6 =	sshll.u32 s28, $0x1;
	[dreg:$0x2] =	wrdreg s4  }
0xaf: {  	[dreg:$0x3] =	wrdreg s6  }
0xb0: {  	[dreg:$0x4] =	wrdreg $0xC0  }
0xb1: {  	_ =	task [dreg:s8], $0x5FFFF  }
0xb2: {  	[dreg:$0x1] =	wrdreg $0xFFFFFFFF  }
0xb3: {  	[dreg:$0x0] =	wrdreg $0x60  }
0xb4: {  	[dreg:$0x2] =	wrdreg s24  }
0xb5: {  	[dreg:$0x3] =	wrdreg s17  }
0xb6: {  	[dreg:$0x4] =	wrdreg s16  }
0xb7: {  	[dreg:$0x5] =	wrdreg $0x9  }
0xb8: {  	_ =	task.clear_ibuf [dreg:s8], $0x6FFFF;
	_ =	strace $0x90000046  }
0xb9: {  	s29 =	simm.s32 $0x9;
	_ =	strace $0x80000048  }
0xba: {  	_ =	swait.ge [sflag:s29], $0x1  }
0xbb: {  	[sflag:s29] =	ssyncadd.s32 $0xFFFFFFFF  }
0xbc: {  	_ =	strace $0x90000048  }
0xbd: {  	_ =	sfence  }
0xbe: {  	s30 =	sld [smem:$0x0];
	_ =	sdelay $0x2  }
0xbf: {  	s31 =	sshll.u32 s1, $0xD;
	s1 =	sshrl.u32 s1, $0x2  }
0xc0: {  	s3 =	sand.u32 $0x4000, s31;
	s1 =	sadd.s32 s1, s30  }
0xc1: {  	s0 =	sor.u32 s3, s0;
	s1 =	sshll.u32 s1, $0x11  }
0xc2: {  	s0 =	sor.u32 s1, s0  }
0xc3: {  	s0 =	sadd.s32 $0x8F2B, s0  }
0xc4: {  	[sflag:s0] =	ssyncadd.remote.s32 $0x1  }
0xc5: {  	_ =	sfence.sel $0xFFFF  }
0xc6: {  	[dreg:$0x0] =	wrdreg $0xFFFFFFFF;
	(pc) =	sbr.abs _section_cstart, $3  }
0xc7: {  	[dreg:$0x1] =	wrdreg $0xFFFFFFFF  }
0xc8: {  	_ =	task.clear_ibuf [dreg:s8], $0x2FFFF;
	_ =	strace $0x9FFFFFFF  }
0xc9: {  	(tm) =	ssettm $0x7FFFFFFF  }
tec
execute0_lowered:
.L_overlay_start_1:
0x0: {  	(tag) =	ssettag $0x1  }
0x1: {  	s1 =	stileid.u32  }
0x2: {  	p0 =	sgt.u32 s1, $0x1  }
.Ltmp0:
0x3: {  	s5 =	rddreg [dreg:$0x0];
	(pc) =	sbr.rel @p0 .LBB2_14-.Ltmp0, $4  }
0x4: {  	s6 =	rddreg [dreg:$0x1]  }
0x5: {  	s7 =	rddreg [dreg:$0x2];
	s2 =	simm.s32 $0x0  }
0x6: {  	[smem:$0x7FF] =	sst s2  }
0x7: {  	s0 =	rddreg [dreg:$0x3];
	_ =	strace $0x80000047  }
0x8: {  	s3 =	srdreg.scid  }
0x9: {  	s29 =	sshll.u32 s1, $0x1;
	s4 =	sadd.s32 $0x15FE00, s5;
	s8 =	sand.u32 $0x1, s3  }
0xa: {  	s14 =	simm.s32 $0x6780;
	s15 =	simm.s32 $0x9000;
	s9 =	sor.u32 s8, s29  }
0xb: {  	s16 =	simm.s32 $0xDE80;
	s17 =	simm.s32 $0x0;
	s10 =	smul.u32 $0x9C6, s9  }
0xc: {  	s3 =	sadd.s32 $0x138C00, s5;
	s13 =	ssub.s32 $0x2, s8;
	s12 =	smul.u32 $0x500, s9  }
.Ltmp1:
0xd: {  	s11 =	sshll.u32 s9, $0x1;
	s30 =	sshrl.u32 s13, $0x1;
	(pc) =	sbr.rel .LBB2_2-.Ltmp1, $4  }
0xe: {  	s11 =	sadd.s32 s11, s5;
	s31 =	ssub.s32 s13, s30;
	s13 =	simm.s32 $0x3F00  }
0xf: {  	s10 =	sadd.s32 s10, s5;
	s5 =	smul.u32 $0x4E200, s9;
	s6 =	sadd.s32 s6, s12  }
0x10: {  	v0 =	vimm.f32 $-1.000000000e+00;
	v1 =	vimm.s32 $0x0;
	s7 =	sadd.s32 s7, s12;
	s9 =	sadd.s32 $0x2C00, s11;
	s11 =	simm.s32 $0x1  }
0x11: {  	v2 =	vlaneseq.u32;
	vm0 =	vcmask $0x300;
	vm1 =	vcmask $0x704;
	s12 =	simm.s32 $0x1F80;
	s8 =	sadd.s32 $0x400, s10;
	s10 =	smax.u32 s31, $0x1  }
.LBB2_13:
0x12: {  	v3 =	vmov s20  }
0x13: {  	v3 =	vnsel vm0, $0x0, v3  }
0x14: {  	v3 =	vsel vm1, s21, v3  }
0x15: {  	[tilespmem:$0xDE80] =	vst v3  }
0x16: {  	[hbm4b:s6+s2] =	stream.linear.scatter [tilespmem:s13], [sflag:$0x1], $0x2800, $0x38;
	[tilespmem:$0xDF00] =	vst v63  }
0x17: {  	_ =	swait.ge [sflag:s11], $0x2800  }
0x18: {  	[sflag:s11] =	ssyncset.done $0x0  }
0x19: {  	[sflag:s11] =	ssyncadd.s32 $0xFFFFD800  }
0x1a: {  	[hbm4b:s7+s2] =	stream.linear.scatter [tilespmem:s14], [sflag:$0x1], $0x2800, $0x38;
	[tilespmem:$0xDF00] =	vst v63  }
0x1b: {  	_ =	swait.ge [sflag:s11], $0x2800  }
0x1c: {  	[sflag:s11] =	ssyncset.done $0x0  }
0x1d: {  	[sflag:s11] =	ssyncadd.s32 $0xFFFFD800  }
0x1e: {  	[hbm4b:s8+s2] =	stream.linear.scatter [tilespmem:s15], [sflag:$0x1], $0x4E30, $0x38;
	[tilespmem:$0xDF00] =	vst v63  }
0x1f: {  	s17 =	sadd.s32 $0x1, s17;
	_ =	swait.ge [sflag:s11], $0x4E30  }
0x20: {  	p0 =	sne.s32 s17, s10;
	[sflag:s11] =	ssyncset.done $0x0  }
.Ltmp2:
0x21: {  	[sflag:s11] =	ssyncadd.s32 $0xFFFFB1D0;
	(pc) =	sbr.rel @!p0 .LBB2_14-.Ltmp2, $4  }
0x22: {  	[hbm4b:s9+s2] =	stream.linear.scatter [tilespmem:s16], [sflag:$0x1], $0x10, $0x38;
	[tilespmem:$0xDF00] =	vst v63  }
0x23: {  	_ =	swait.ge [sflag:s11], $0x10  }
0x24: {  	[sflag:s11] =	ssyncset.done $0x0  }
0x25: {  	[sflag:s11] =	ssyncadd.s32 $0xFFFFFFF0  }
.LBB2_2:
0x26: {  	s18 =	simm.s32 $0x0;
	s19 =	simm.s32 $0x40;
	s20 =	simm.s32 $0x0  }
.LBB2_3:
0x27: {  	p0 =	sne.s32 s19, $0xA000;
	[tilespmem:s20+$0x3F00] =	vst v0;
	s21 =	smov.u32 s19;
	s19 =	sadd.s32 $0x40, s19  }
.Ltmp3:
0x28: {  	[tilespmem:s20+$0x6780] =	vst v1;
	(pc) =	sbr.rel @p0 .LBB2_3-.Ltmp3, $2  }
0x29: {  	_ =	sdelay $0x2  }
0x2a: {  	s20 =	sshra.s32 s21, $0x2  }
.Ltmp4:
0x2b: {  	(pc) =	sbr.rel .LBB2_5-.Ltmp4, $3  }
0x2c: {  	_ =	sdelay $0x1  }
0x2d: {  	[tilespmem:s20+$0x3F00] =	vst v0  }
0x2e: {  	[tilespmem:s20+$0x6780] =	vst v1;
	s21 =	simm.s32 $0x0;
	s20 =	simm.s32 $0x0;
	s19 =	simm.s32 $0x0  }
.LBB2_11:
0x2f: {  	v3 =	vld [tilespmem:s22+$0x1F80];
	_ =	sdelay $0x4  }
0x30: {  	vm2 =	veq.s32 v3, $0x1  }
0x31: {  	v3 =	vsel vm2, $0x1, v1  }
0x32: {  	(xrf0) =	vadd.scan.msk.s32 $0xffff, v3;
	_ =	sdelay $0x5  }
0x33: {  	v3, _, _ =	vpop (xrf0)  }
0x34: {  	v4 =	vxor.u32 $0x80000000, v3  }
0x35: {  	(xrf0) =	vmax.scan.msk.u32 $0xffff, v4;
	_ =	sdelay $0x5  }
0x36: {  	v4, _, _ =	vpop (xrf0)  }
0x37: {  	(v2sf) =	vpush v4, $0xF;
	_ =	sdelay $0x3  }
0x38: {  	s23 =	spop (v2sf)  }
0x39: {  	s20 =	sadd.s32 s23, s20  }
0x3a: {  	s20 =	sadd.s32 $0x80000000, s20  }
0x3b: {  	p0 =	slt.s32 s20, $0x2800  }
0x3c: {  	s20 =	simm.s32 @!p0 $0x2800  }
0x3d: {  	v62 =	vmov s20  }
0x3e: {  	v4 =	vadd.s32 $0xFFFFFFFF, v62  }
0x3f: {  	v4 =	vbroadcast v4, $0x0;
	_ =	sdelay $0x1  }
0x40: {  	v5 =	vld [tilespmem:s22+$0x0];
	v3 =	vadd.s32 v3, v4;
	_ =	sdelay $0x1  }
0x41: {  	s31 =	spop (v2sf)  }
0x42: {  	s20 =	sadd.s32 s31, s20  }
0x43: {  	s21 =	sadd.s32 $0x10, s21;
	s20 =	sadd.s32 $0x80000000, s20  }
0x44: {  	v63 =	vor.u32 s21, v2;
	[tilespmem:v3+s13+$0x0] =	vst.idx.msk vm2, v5;
	p0 =	slt.s32 s20, $0x2800  }
0x45: {  	s21 =	simm.s32 $0x4E30;
	[tilespmem:v3+s14+$0x0] =	vst.idx.msk vm2, v63;
	s20 =	simm.s32 @!p0 $0x2800  }
.LBB2_12:
0x46: {  	s19 =	sadd.s32 $0x1, s19  }
0x47: {  	p0 =	sne.s32 s19, $0x28  }
.Ltmp5:
0x48: {  	_ = 	snop;
	(pc) =	sbr.rel @!p0 .LBB2_13-.Ltmp5, $2  }
0x49: {  	_ =	sdelay $0x2  }
0x4a: {  	s18 =	sadd.s32 $0x1F40, s18  }
.LBB2_5:
0x4b: {  	s22 =	smul.u32 $0x1F40, s19;
	_ =	sdelay $0x1  }
0x4c: {  	s22 =	sadd.s32 s5, s22  }
0x4d: {  	s23 =	sshrl.u32 s22, $0x3  }
0x4e: {  	s22 =	simm.s32 $0x0;
	s24 =	sadd.s32 s3, s23  }
0x4f: {  	[tilespmem:s22], [sflag:$0x1] =	stream.linear.gather [hbm4b:s24+s22], $0x1F40, $0x38;
	[tilespmem:$0xDF00] =	vst v63  }
0x50: {  	_ =	swait.ge [sflag:s11], $0x1F40  }
0x51: {  	p0 =	sgt.s32 s21, $0x4E2F;
	[sflag:s11] =	ssyncset.done $0x0  }
.Ltmp6:
0x52: {  	s23 =	sadd.s32 s4, s23;
	[sflag:s11] =	ssyncadd.s32 $0xFFFFE0C0;
	(pc) =	sbr.rel @p0 .LBB2_9-.Ltmp6, $4  }
0x53: {  	[tilespmem:s12], [sflag:$0x1] =	stream.linear.gather [hbm4b:s23+s22], $0x1F40, $0x38;
	[tilespmem:$0xDF00] =	vst v63  }
0x54: {  	_ =	swait.ge [sflag:s11], $0x1F40  }
0x55: {  	[sflag:s11] =	ssyncset.done $0x0  }
0x56: {  	[sflag:s11] =	ssyncadd.s32 $0xFFFFE0C0  }
0x57: {  	s22 =	simm.s32 $0x0  }
0x58: {  	v3 =	vld [tilespmem:s22+$0x1F80];
	_ =	sdelay $0x4  }
0x59: {  	vm2 =	veq.s32 v3, $0x1  }
0x5a: {  	v4 =	vsel vm2, $0x1, v1  }
0x5b: {  	vm3 =	veq.s32 v3, $0x2;
	(xrf0) =	vadd.scan.msk.s32 $0xffff, v4  }
0x5c: {  	v5 =	vsel vm3, $0x1, v1  }
0x5d: {  	(xrf0) =	vadd.scan.msk.s32 $0xffff, v5;
	_ =	sdelay $0x3  }
0x5e: {  	v4, _, _ =	vpop (xrf0)  }
0x5f: {  	v7 =	vmov s20;
	v5 =	vxor.u32 $0x80000000, v4  }
0x60: {  	v6, _, _ =	vpop (xrf0);
	(xrf0) =	vmax.scan.msk.u32 $0xffff, v5;
	v5 =	vadd.s32 $0xFFFFFFFF, v7  }
0x61: {  	v8 =	vxor.u32 $0x80000000, v6;
	v7 =	vmov @!p0 s21;
	v5 =	vbroadcast v5, $0x0  }
0x62: {  	(xrf0) =	vmax.scan.msk.u32 $0xffff, v8;
	v7 =	vadd.s32 @!p0 $0xFFFFFFFF, v7  }
0x63: {  	v4 =	vadd.s32 v4, v5;
	v5 =	vbroadcast @!p0 v7, $0x0;
	_ =	sdelay $0x1  }
0x64: {  	v63 =	vld [tilespmem:s22+$0x0]  }
0x65: {  	vm3 =	veq.s32 @!p0 v3, $0x2  }
0x66: {  	v3 =	vadd.s32 @!p0 v6, v5;
	v5, _, _ =	vpop (xrf0)  }
0x67: {  	(v2sf) =	vpush v5, $0xF;
	v5, _, _ =	vpop (xrf0)  }
0x68: {  	(v2sf) =	vpush v5, $0xF  }
0x69: {  	[tilespmem:v4+s13+$0x0] =	vst.idx.msk vm2, v63;
	v5 =	vor.u32 s18, v2  }
0x6a: {  	s22 =	simm.s32 @!p0 $0x9000;
	[tilespmem:v4+s14+$0x0] =	vst.idx.msk vm2, v5  }
0x6b: {  	s23 =	simm.s32 $0x10;
	[tilespmem:v3+s22+$0x0] =	vst.idx.msk @!p0 vm3, v5  }
0x6c: {  	v3 =	vld [tilespmem:s23+$0x1F80];
	_ =	sdelay $0x4  }
0x6d: {  	vm2 =	veq.s32 v3, $0x1  }
0x6e: {  	v4 =	vsel vm2, $0x1, v1  }
0x6f: {  	vm3 =	veq.s32 v3, $0x2;
	(xrf0) =	vadd.scan.msk.s32 $0xffff, v4  }
0x70: {  	v4 =	vsel vm3, $0x1, v1  }
0x71: {  	(xrf0) =	vadd.scan.msk.s32 $0xffff, v4  }
0x72: {  	s28 =	spop (v2sf)  }
0x73: {  	s29 =	sadd.s32 s28, s20;
	s30 =	spop (v2sf)  }
0x74: {  	s24 =	simm.s32 $0x80;
	s20 =	sadd.s32 $0x80000000, s29;
	s31 =	sadd.s32 s30, s21  }
0x75: {  	v4, _, _ =	vpop (xrf0);
	s21 =	sadd.s32 $0x10, s18;
	p1 =	slt.s32 s20, $0x2800;
	s22 =	sadd.s32 $0x80000000, s31  }
.LBB2_7:
0x76: {  	s20 =	simm.s32 @!p1 $0x2800  }
0x77: {  	v5 =	vxor.u32 $0x80000000, v4;
	v6, _, _ =	vpop (xrf0);
	p1 =	slt.s32 s22, $0x4E30;
	s25 =	smov.u32 s24;
	s24 =	sadd.s32 $0x40, s24  }
0x78: {  	p0 =	seq.s32 s24, $0x7D00;
	v7 =	vmov s20;
	v8 =	vxor.u32 $0x80000000, v6;
	(xrf0) =	vmax.scan.msk.u32 $0xffff, v5;
	s22 =	simm.s32 @!p1 $0x4E30  }
0x79: {  	v5 =	vadd.s32 $0xFFFFFFFF, v7;
	p1 =	sgt.s32 s22, $0x4E2F;
	(xrf0) =	vmax.scan.msk.u32 $0xffff, v8  }
0x7a: {  	v5 =	vbroadcast v5, $0x0;
	vm3 =	veq.s32 @!p1 v3, $0x2;
	v3 =	vmov @!p1 s22  }
0x7b: {  	v3 =	vadd.s32 @!p1 $0xFFFFFFFF, v3  }
0x7c: {  	v7 =	vld [tilespmem:s23+$0x0];
	v4 =	vadd.s32 v4, v5;
	v3 =	vbroadcast @!p1 v3, $0x0;
	_ =	sdelay $0x1  }
0x7d: {  	v3 =	vadd.s32 @!p1 v6, v3;
	v5, _, _ =	vpop (xrf0)  }
0x7e: {  	(v2sf) =	vpush v5, $0xF;
	v5, _, _ =	vpop (xrf0)  }
0x7f: {  	(v2sf) =	vpush v5, $0xF  }
0x80: {  	v5 =	vor.u32 s21, v2;
	[tilespmem:v4+s13+$0x0] =	vst.idx.msk vm2, v7  }
0x81: {  	s26 =	simm.s32 @!p1 $0x9000;
	[tilespmem:v4+s14+$0x0] =	vst.idx.msk vm2, v5  }
0x82: {  	s23 =	sshra.s32 s25, $0x2;
	[tilespmem:v3+s26+$0x0] =	vst.idx.msk @!p1 vm3, v5  }
0x83: {  	v3 =	vld [tilespmem:s23+$0x1F80];
	_ =	sdelay $0x4  }
0x84: {  	vm2 =	veq.s32 v3, $0x1;
	vm3 =	veq.s32 v3, $0x2  }
0x85: {  	v4 =	vsel vm2, $0x1, v1;
	v5 =	vsel vm3, $0x1, v1  }
0x86: {  	(xrf0) =	vadd.scan.msk.s32 $0xffff, v4  }
0x87: {  	(xrf0) =	vadd.scan.msk.s32 $0xffff, v5  }
.Ltmp7:
0x88: {  	(pc) =	sbr.rel @!p0 .LBB2_7-.Ltmp7, $4  }
0x89: {  	s25 =	spop (v2sf)  }
0x8a: {  	s20 =	sadd.s32 s25, s20;
	s25 =	spop (v2sf)  }
0x8b: {  	s20 =	sadd.s32 $0x80000000, s20;
	s22 =	sadd.s32 s25, s22  }
0x8c: {  	s21 =	sadd.s32 $0x10, s21;
	v4, _, _ =	vpop (xrf0);
	p1 =	slt.s32 s20, $0x2800;
	s22 =	sadd.s32 $0x80000000, s22  }
0x8d: {  	v5 =	vxor.u32 $0x80000000, v4;
	v6, _, _ =	vpop (xrf0)  }
0x8e: {  	v7 =	vxor.u32 $0x80000000, v6;
	(xrf0) =	vmax.scan.msk.u32 $0xffff, v5  }
0x8f: {  	(xrf0) =	vmax.scan.msk.u32 $0xffff, v7;
	_ =	sdelay $0x4  }
0x90: {  	v5, _, _ =	vpop (xrf0)  }
0x91: {  	(v2sf) =	vpush v5, $0xF;
	v61, _, _ =	vpop (xrf0)  }
0x92: {  	(v2sf) =	vpush v61, $0xF;
	_ =	sdelay $0x6  }
0x93: {  	s20 =	simm.s32 @!p1 $0x2800;
	p0 =	slt.s32 s22, $0x4E30  }
0x94: {  	v62 =	vmov s20;
	s22 =	simm.s32 @!p0 $0x4E30  }
0x95: {  	p0 =	sgt.s32 s22, $0x4E2F;
	v5 =	vadd.s32 $0xFFFFFFFF, v62  }
0x96: {  	v7 =	vmov @!p0 s22;
	v5 =	vbroadcast v5, $0x0  }
0x97: {  	v7 =	vadd.s32 @!p0 $0xFFFFFFFF, v7  }
0x98: {  	v8 =	vld [tilespmem:s23+$0x0];
	v63 =	vadd.s32 v4, v5;
	v5 =	vbroadcast @!p0 v7, $0x0  }
0x99: {  	vm3 =	veq.s32 @!p0 v3, $0x2  }
0x9a: {  	v3 =	vadd.s32 @!p0 v6, v5;
	s31 =	spop (v2sf)  }
.Ltmp8:
0x9b: {  	s24 =	spop (v2sf);
	(pc) =	sbr.rel .LBB2_12-.Ltmp8, $4  }
0x9c: {  	s20 =	sadd.s32 s31, s20;
	s22 =	sadd.s32 s24, s22  }
0x9d: {  	v5 =	vor.u32 s21, v2;
	[tilespmem:v63+s13+$0x0] =	vst.idx.msk vm2, v8;
	s20 =	sadd.s32 $0x80000000, s20;
	s21 =	sadd.s32 $0x80000000, s22  }
0x9e: {  	[tilespmem:v63+s14+$0x0] =	vst.idx.msk vm2, v5;
	s22 =	simm.s32 @!p0 $0x9000;
	p1 =	slt.s32 s20, $0x2800;
	p2 =	slt.s32 s21, $0x4E30  }
0x9f: {  	[tilespmem:v3+s22+$0x0] =	vst.idx.msk @!p0 vm3, v5;
	s20 =	simm.s32 @!p1 $0x2800;
	s21 =	simm.s32 @!p2 $0x4E30  }
.LBB2_9:
0xa0: {  	s21 =	sshra.s32 s22, $0x2  }
0xa1: {  	v3 =	vld [tilespmem:s21+$0x1F80];
	_ =	sdelay $0x4  }
0xa2: {  	vm2 =	veq.s32 v3, $0x1  }
0xa3: {  	v3 =	vsel vm2, $0x1, v1  }
0xa4: {  	(xrf0) =	vadd.scan.msk.s32 $0xffff, v3;
	_ =	sdelay $0x5  }
0xa5: {  	v4, _, _ =	vpop (xrf0)  }
0xa6: {  	v5 =	vxor.u32 $0x80000000, v4  }
0xa7: {  	(xrf0) =	vmax.scan.msk.u32 $0xffff, v5  }
0xa8: {  	v3 =	vmov s20  }
0xa9: {  	v3 =	vadd.s32 $0xFFFFFFFF, v3  }
0xaa: {  	v3 =	vbroadcast v3, $0x0;
	_ =	sdelay $0x1  }
0xab: {  	v61 =	vld [tilespmem:s21+$0x0];
	v3 =	vadd.s32 v4, v3  }
0xac: {  	v62, _, _ =	vpop (xrf0)  }
0xad: {  	(v2sf) =	vpush v62, $0xF;
	_ =	sdelay $0x2  }
0xae: {  	s31 =	sadd.s32 $0x40, s22;
	v63 =	vor.u32 s18, v2;
	[tilespmem:v3+s13+$0x0] =	vst.idx.msk vm2, v61  }
0xaf: {  	s22 =	sshra.s32 s31, $0x2;
	s23 =	sadd.s32 $0x40, s31;
	s21 =	smov.u32 s18;
	[tilespmem:v3+s14+$0x0] =	vst.idx.msk vm2, v63  }
.LBB2_10:
0xb0: {  	p0 =	sne.s32 s23, $0x7CC0;
	v3 =	vld [tilespmem:s22+$0x1F80];
	_ =	sdelay $0x4  }
0xb1: {  	vm2 =	veq.s32 v3, $0x1  }
0xb2: {  	v3 =	vsel vm2, $0x1, v1  }
0xb3: {  	(xrf0) =	vadd.scan.msk.s32 $0xffff, v3;
	_ =	sdelay $0x2  }
0xb4: {  	s24 =	spop (v2sf)  }
0xb5: {  	s20 =	sadd.s32 s24, s20  }
0xb6: {  	s20 =	sadd.s32 $0x80000000, s20  }
0xb7: {  	v3, _, _ =	vpop (xrf0);
	p1 =	slt.s32 s20, $0x2800  }
0xb8: {  	v4 =	vxor.u32 $0x80000000, v3;
	s20 =	simm.s32 @!p1 $0x2800  }
0xb9: {  	v5 =	vmov s20;
	(xrf0) =	vmax.scan.msk.u32 $0xffff, v4  }
0xba: {  	v4 =	vadd.s32 $0xFFFFFFFF, v5  }
0xbb: {  	v4 =	vbroadcast v4, $0x0;
	_ =	sdelay $0x1  }
0xbc: {  	v5 =	vld [tilespmem:s22+$0x0];
	v3 =	vadd.s32 v3, v4;
	_ =	sdelay $0x1  }
0xbd: {  	v4, _, _ =	vpop (xrf0)  }
.Ltmp9:
0xbe: {  	(v2sf) =	vpush v4, $0xF;
	(pc) =	sbr.rel @p0 .LBB2_10-.Ltmp9, $4  }
0xbf: {  	s21 =	sadd.s32 $0x10, s21  }
0xc0: {  	v4 =	vor.u32 s21, v2;
	[tilespmem:v3+s13+$0x0] =	vst.idx.msk vm2, v5  }
0xc1: {  	[tilespmem:v3+s14+$0x0] =	vst.idx.msk vm2, v4  }
0xc2: {  	s22 =	sshra.s32 s23, $0x2;
	s23 =	sadd.s32 $0x40, s23  }
.Ltmp10:
0xc3: {  	_ = 	snop;
	(pc) =	sbr.rel .LBB2_11-.Ltmp10, $1  }
0xc4: {  	_ =	sdelay $0x3  }
.LBB2_14:
0xc5: {  	_ =	sfence.sel $0x180000  }
0xc6: {  	[bflag:$0x0] =	sbarrier.arrive $0xFFFF  }
0xc7: {  	p0 =	sne.s32 s1, $0x0;
	_ =	strace $0x90000047  }
0xc8: {  	s0 =	sadd.s32 @!p0 $0x100000, s0;
	[bflag:$0x2] =	sbarrier.arrive $0xFFFF  }
0xc9: {  	[sflag:s0] =	ssyncadd.tile.s32 @!p0 $0x1;
	_ =	shalt  }
.Lfunc_end2:
_tile_overlayer_lowered:
.L_overlay_start_2:
0xca: {  	(tag) =	ssettag $0x2  }
0xcb: {  	s0 =	rddreg [dreg:$0x0];
	s2 =	stileid.u32  }
0xcc: {  	s1 =	rddreg [dreg:$0x1];
	p0 =	sne.s32 s2, $0x0  }
0xcd: {  	s3 =	rddreg [dreg:$0x2];
	[bflag:$0x3] =	sbarrier.arrive $0xFFFF;
	s2 =	simm.s32 @!p0 $0x1C01  }
0xce: {  	[timem:s3], [sflag:s2] =	dma.local @!p0 [hbm:s0], s1  }
0xcf: {  	s0 =	simm.s32 @!p0 $0x1  }
0xd0: {  	_ =	swait.ge @!p0 [sflag:s0], s1  }
0xd1: {  	s1 =	ssub.s32 @!p0 $0x0, s1;
	[sflag:s0] =	ssyncset.done @!p0 $0x0  }
0xd2: {  	[sflag:s0] =	ssyncadd.s32 @!p0 s1  }
0xd3: {  	[bflag:$0x3] =	sbarrier.arrive $0xFFFF  }
0xd4: {  	_ =	shalt  }

</sc_bundles>
